<compile_context>
chip_gen: v7x
topology: tpu7x:2x2x1
jax: 0.10.2.dev20260603
libtpu: 0.0.44.dev20260713+nightly
codegen_flags: <defaults>
</compile_context>

<pallas_src>
import jax
import jax.numpy as jnp
from jax import lax
from jax.experimental import pallas as pl
from jax.experimental.pallas import tpu as pltpu, tpu_sc as plsc

B = 4096
L = 200
D = 32
OUT_D = 3 * D + 1
N = B * L

NUM_WORKERS = 32
PER_W = N // NUM_WORKERS
CHUNK = 512
SUB = 128
NSUB = CHUNK // SUB
PAIR = 2 * CHUNK
RPP = PAIR // SUB
NPAIRS = PER_W // PAIR


def _body(goods_t, shop_t, cate_t, prices, gids, sids, cids, out,
          idxg, idxs, idxc, pbuf, pb20, pb21, g0, s0, c0, g1, s1, c1,
          isem, gsem, wsem):
    wid = lax.axis_index("s") * 2 + lax.axis_index("c")
    w_base = wid * PER_W
    lane = lax.iota(jnp.int32, 16)
    zero16 = jnp.zeros((16,), jnp.int32)

    def id_copies(p, sl):
        pair_base = w_base + p * PAIR
        rows = pl.ds(pair_base // SUB, RPP)
        return [pltpu.make_async_copy(gids.at[rows], idxg.at[sl], isem),
                pltpu.make_async_copy(sids.at[rows], idxs.at[sl], isem),
                pltpu.make_async_copy(cids.at[rows], idxc.at[sl], isem),
                pltpu.make_async_copy(prices.at[pl.ds(pair_base, PAIR)],
                                      pbuf.at[sl], isem)]

    def fill_price(ci, sl, pb2):
        for i in range(CHUNK // 16):
            vals = pbuf[sl, pl.ds(ci * CHUNK + i * 16, 16)]
            plsc.store_scatter(pb2, [lane + i * 16, zero16], vals)

    def gather_copies(ci, sl, gb, sb, cb):
        cps = []
        for j in range(NSUB):
            r = ci * NSUB + j
            rows = pl.ds(j * SUB, SUB)
            cps += [pltpu.make_async_copy(goods_t.at[idxg.at[sl, r]],
                                          gb.at[rows], gsem),
                    pltpu.make_async_copy(shop_t.at[idxs.at[sl, r]],
                                          sb.at[rows], gsem),
                    pltpu.make_async_copy(cate_t.at[idxc.at[sl, r]],
                                          cb.at[rows], gsem)]
        return cps

    def write_copies(p, ci, pb2, gb, sb, cb):
        base = w_base + p * PAIR + ci * CHUNK
        rows = pl.ds(base, CHUNK)
        return [pltpu.make_async_copy(gb, out.at[rows, pl.ds(0, D)], wsem),
                pltpu.make_async_copy(sb, out.at[rows, pl.ds(D, D)], wsem),
                pltpu.make_async_copy(cb, out.at[rows, pl.ds(2 * D, D)],
                                      wsem),
                pltpu.make_async_copy(pb2,
                                      out.at[rows, pl.ds(3 * D, 1)], wsem)]

    for c in id_copies(0, 0):
        c.start()

    @pl.loop(0, NPAIRS)
    def _pair(p):
        sl = lax.rem(p, 2)
        for c in id_copies(p, sl):
            c.wait()

        @pl.when(p > 0)
        def _drain0():
            for c in write_copies(p - 1, 0, pb20, g0, s0, c0):
                c.wait()
        for c in gather_copies(0, sl, g0, s0, c0):
            c.start()
        fill_price(0, sl, pb20)

        @pl.when(p > 0)
        def _drain1():
            for c in write_copies(p - 1, 1, pb21, g1, s1, c1):
                c.wait()
        for c in gather_copies(1, sl, g1, s1, c1):
            c.start()
        fill_price(1, sl, pb21)

        @pl.when(p < NPAIRS - 1)
        def _prefetch():
            for c in id_copies(p + 1, 1 - sl):
                c.start()

        for c in gather_copies(0, sl, g0, s0, c0):
            c.wait()
        for c in write_copies(p, 0, pb20, g0, s0, c0):
            c.start()
        for c in gather_copies(1, sl, g1, s1, c1):
            c.wait()
        for c in write_copies(p, 1, pb21, g1, s1, c1):
            c.start()

    last = NPAIRS - 1
    for c in write_copies(last, 0, pb20, g0, s0, c0):
        c.wait()
    for c in write_copies(last, 1, pb21, g1, s1, c1):
        c.wait()


@jax.jit
def _sc_lookup(goods_t, shop_t, cate_t, prices1d, gids2d, sids2d, cids2d):
    mesh = plsc.VectorSubcoreMesh(core_axis_name="c", subcore_axis_name="s")
    return pl.kernel(
        _body,
        out_type=jax.ShapeDtypeStruct((N, OUT_D), jnp.float32),
        mesh=mesh,
        compiler_params=pltpu.CompilerParams(use_tc_tiling_on_sc=False,
                                            needs_layout_passes=False),
        scratch_types=[
            pltpu.VMEM((2, RPP, SUB), jnp.int32),
            pltpu.VMEM((2, RPP, SUB), jnp.int32),
            pltpu.VMEM((2, RPP, SUB), jnp.int32),
            pltpu.VMEM((2, PAIR), jnp.float32),
            pltpu.VMEM((CHUNK, 1), jnp.float32),
            pltpu.VMEM((CHUNK, 1), jnp.float32),
            pltpu.VMEM((CHUNK, D), jnp.float32),
            pltpu.VMEM((CHUNK, D), jnp.float32),
            pltpu.VMEM((CHUNK, D), jnp.float32),
            pltpu.VMEM((CHUNK, D), jnp.float32),
            pltpu.VMEM((CHUNK, D), jnp.float32),
            pltpu.VMEM((CHUNK, D), jnp.float32),
            pltpu.SemaphoreType.DMA,
            pltpu.SemaphoreType.DMA,
            pltpu.SemaphoreType.DMA,
        ],
    )(goods_t, shop_t, cate_t, prices1d, gids2d, sids2d, cids2d)


def kernel(goods_table, shop_table, cate_table, goods_prices,
           goods_ids, shop_ids, cate_ids):
    gids2d = goods_ids.reshape(N // SUB, SUB).astype(jnp.int32)
    sids2d = shop_ids.reshape(N // SUB, SUB).astype(jnp.int32)
    cids2d = cate_ids.reshape(N // SUB, SUB).astype(jnp.int32)
    prices1d = goods_prices.reshape(N)
    out = _sc_lookup(goods_table, shop_table, cate_table,
                     prices1d, gids2d, sids2d, cids2d)
    return out.reshape(B, L, OUT_D)

# --- scband reference (transcript-rebuilt; emitter-appended) ---
"""Pipeline reference for scband-items-embedding-44367012168143 (READ-ONLY COPY).

The authoritative reference and input builder live on the scoring server;
editing this copy changes nothing except your own understanding.
"""

import jax, jax.numpy as jnp
import numpy as np

GOODS_VOCAB = 1000000
SHOP_VOCAB = 100000
CATE_VOCAB = 1000
EMBED_DIM = 32
BATCH = 4096
HIST = 200


def setup_inputs(seed: int = 0) -> dict:
    key = jax.random.key(seed)
    k1, k2, k3, k4, k5, k6, k7 = jax.random.split(key, 7)
    goods_ids = jax.random.randint(k1, (BATCH, HIST), 0, GOODS_VOCAB, dtype=jnp.int64 if jax.config.jax_enable_x64 else jnp.int32)
    shop_ids = jax.random.randint(k2, (BATCH, HIST), 0, SHOP_VOCAB, dtype=jnp.int64 if jax.config.jax_enable_x64 else jnp.int32)
    cate_ids = jax.random.randint(k3, (BATCH, HIST), 0, CATE_VOCAB, dtype=jnp.int64 if jax.config.jax_enable_x64 else jnp.int32)
    goods_prices = jax.random.uniform(k4, (BATCH, HIST, 1), dtype=jnp.float32)
    goods_table = jax.random.normal(k5, (GOODS_VOCAB, EMBED_DIM), dtype=jnp.float32) * 0.02
    shop_table = jax.random.normal(k6, (SHOP_VOCAB, EMBED_DIM), dtype=jnp.float32) * 0.02
    cate_table = jax.random.normal(k7, (CATE_VOCAB, EMBED_DIM), dtype=jnp.float32) * 0.02
    return {
        "goods_table": goods_table,
        "shop_table": shop_table,
        "cate_table": cate_table,
        "goods_prices": goods_prices,
        "goods_ids": goods_ids,
        "shop_ids": shop_ids,
        "cate_ids": cate_ids,
    }


def reference(goods_table, shop_table, cate_table, goods_prices, goods_ids, shop_ids, cate_ids):
    # SequenceFeatures: per-timestep embedding lookup for each sequence column,
    # concatenated along the last axis.
    goods_emb = jnp.take(goods_table, goods_ids, axis=0)   # [B, L, D]
    shop_emb = jnp.take(shop_table, shop_ids, axis=0)      # [B, L, D]
    cate_emb = jnp.take(cate_table, cate_ids, axis=0)      # [B, L, D]
    sequence_embed = jnp.concatenate([goods_emb, shop_emb, cate_emb], axis=-1)
    # tf.sparse.to_dense(features['item.goods_prices']) -> dense prices [B, L, 1]
    items_rep = jnp.concatenate([sequence_embed, goods_prices], axis=-1)
    # dropout with training=False is the identity
    return items_rep

if __name__ == "__main__":
    import jax
    _d = setup_inputs()
    print(jax.jit(kernel)(*tuple(_d.values())))

</pallas_src>

<mosaic_0001>
#map = affine_map<(d0, d1) -> (0, 0)>
#map1 = affine_map<(d0, d1) -> (0)>
module attributes {stable_mosaic.version = 14 : i64} {
  func.func @_body(%arg0: i32, %arg1: i32, %arg2: memref<1000000x32xf32, #tpu.memory_space<hbm>>, %arg3: memref<100000x32xf32, #tpu.memory_space<hbm>>, %arg4: memref<1000x32xf32, #tpu.memory_space<hbm>>, %arg5: memref<819200xf32, #tpu.memory_space<hbm>>, %arg6: memref<6400x128xi32, #tpu.memory_space<hbm>>, %arg7: memref<6400x128xi32, #tpu.memory_space<hbm>>, %arg8: memref<6400x128xi32, #tpu.memory_space<hbm>>, %arg9: memref<819200x97xf32, #tpu.memory_space<hbm>>, %arg10: memref<2x8x128xi32, #tpu.memory_space<vmem>>, %arg11: memref<2x8x128xi32, #tpu.memory_space<vmem>>, %arg12: memref<2x8x128xi32, #tpu.memory_space<vmem>>, %arg13: memref<2x1024xf32, #tpu.memory_space<vmem>>, %arg14: memref<512x1xf32, #tpu.memory_space<vmem>>, %arg15: memref<512x1xf32, #tpu.memory_space<vmem>>, %arg16: memref<512x32xf32, #tpu.memory_space<vmem>>, %arg17: memref<512x32xf32, #tpu.memory_space<vmem>>, %arg18: memref<512x32xf32, #tpu.memory_space<vmem>>, %arg19: memref<512x32xf32, #tpu.memory_space<vmem>>, %arg20: memref<512x32xf32, #tpu.memory_space<vmem>>, %arg21: memref<512x32xf32, #tpu.memory_space<vmem>>, %arg22: memref<!tpu.dma_semaphore, #tpu.memory_space<semaphore_mem>>, %arg23: memref<!tpu.dma_semaphore, #tpu.memory_space<semaphore_mem>>, %arg24: memref<!tpu.dma_semaphore, #tpu.memory_space<semaphore_mem>>) attributes {dimension_semantics = [#tpu.dimension_semantics<core_parallel>, #tpu.dimension_semantics<subcore_parallel>], iteration_bounds = array<i64: 2, 16>, scalar_prefetch = 0 : i64, scratch_operands = 15 : i64, tpu.core_type = #tpu.core_type<sc_vector_subcore>, window_params = [{transform_indices = #map}, {transform_indices = #map}, {transform_indices = #map}, {transform_indices = #map1}, {transform_indices = #map}, {transform_indices = #map}, {transform_indices = #map}, {transform_indices = #map}]} {
    %mul3A = arith.constant 2 : i32
    %mul3A_0 = arith.muli %arg1, %mul3A : i32
    %add3A = arith.addi %mul3A_0, %arg0 : i32
    %mul3A_1 = arith.constant 25600 : i32
    %mul3A_2 = arith.muli %add3A, %mul3A_1 : i32
    %iota3A = tpu.iota {dimensions = array<i32: 0>} : vector<16xi32>
    %broadcast_in_dim3A = arith.constant 0 : i32
    %broadcast_in_dim3A_3 = vector.broadcast %broadcast_in_dim3A : i32 to vector<16xi32>
    %add3A_4 = arith.constant 0 : i32
    %add3A_5 = arith.addi %mul3A_2, %add3A_4 : i32
    %jit3A = arith.constant 128 : i32
    %div3A = arith.divsi %add3A_5, %jit3A : i32
    %sign3A = arith.constant 0 : i32
    %sign3A_6 = arith.cmpi sgt, %add3A_5, %sign3A : i32
    %sign3A_7 = arith.extui %sign3A_6 : i1 to i32
    %sign3A_8 = arith.constant 0 : i32
    %sign3A_9 = arith.cmpi slt, %add3A_5, %sign3A_8 : i32
    %sign3A_10 = arith.extui %sign3A_9 : i1 to i32
    %sign3A_11 = arith.subi %sign3A_7, %sign3A_10 : i32
    %sign3A_12 = arith.constant 0 : i32
    %sign3A_13 = arith.cmpi sgt, %jit3A, %sign3A_12 : i32
    %sign3A_14 = arith.extui %sign3A_13 : i1 to i32
    %sign3A_15 = arith.constant 0 : i32
    %sign3A_16 = arith.cmpi slt, %jit3A, %sign3A_15 : i32
    %sign3A_17 = arith.extui %sign3A_16 : i1 to i32
    %sign3A_18 = arith.subi %sign3A_14, %sign3A_17 : i32
    %ne3A = arith.cmpi ne, %sign3A_11, %sign3A_18 : i32
    %rem3A = arith.remsi %add3A_5, %jit3A : i32
    %ne3A_19 = arith.constant 0 : i32
    %ne3A_20 = arith.cmpi ne, %rem3A, %ne3A_19 : i32
    %and3A = arith.andi %ne3A, %ne3A_20 : i1
    %sub3A = arith.constant 1 : i32
    %sub3A_21 = arith.subi %div3A, %sub3A : i32
    %select_n3A = arith.select %and3A, %sub3A_21, %div3A : i32
    %dma_start3A = arith.constant 0 : i32
    %dma_start3A_22 = arith.constant 0 : i32
    %dma_start3A_23 = arith.constant 0 : i32
    %dma_start3A_24 = tpu.memref_slice %arg10[%dma_start3A, %dma_start3A_22, %dma_start3A_23] : memref<2x8x128xi32, #tpu.memory_space<vmem>> -> memref<1x8x128xi32, #tpu.memory_space<vmem>>
    %dma_start3A_25 = tpu.memref_squeeze %dma_start3A_24 : memref<1x8x128xi32, #tpu.memory_space<vmem>> -> memref<8x128xi32, #tpu.memory_space<vmem>>
    %dma_start3A_26 = arith.constant 0 : i32
    %dma_start3A_27 = tpu.memref_slice %arg6[%select_n3A, %dma_start3A_26] : memref<6400x128xi32, #tpu.memory_space<hbm>> -> memref<8x128xi32, #tpu.memory_space<hbm>>
    %dma_start3A_28 = arith.constant 0 : i32
    %dma_start3A_29 = arith.constant 0 : i32
    %dma_start3A_30 = tpu.memref_slice %arg10[%dma_start3A, %dma_start3A_28, %dma_start3A_29] : memref<2x8x128xi32, #tpu.memory_space<vmem>> -> memref<1x8x128xi32, #tpu.memory_space<vmem>>
    %dma_start3A_31 = tpu.memref_squeeze %dma_start3A_30 : memref<1x8x128xi32, #tpu.memory_space<vmem>> -> memref<8x128xi32, #tpu.memory_space<vmem>>
    %dma_start3A_32 = arith.constant 0 : i32
    %dma_start3A_33 = tpu.memref_slice %arg6[%select_n3A, %dma_start3A_32] : memref<6400x128xi32, #tpu.memory_space<hbm>> -> memref<8x128xi32, #tpu.memory_space<hbm>>
    tpu.enqueue_dma source(%dma_start3A_33 : memref<8x128xi32, #tpu.memory_space<hbm>>) target(%dma_start3A_31 : memref<8x128xi32, #tpu.memory_space<vmem>>) target_semaphore(%arg22 : memref<!tpu.dma_semaphore, #tpu.memory_space<semaphore_mem>>)
    %dma_start3A_34 = arith.constant 0 : i32
    %dma_start3A_35 = arith.constant 0 : i32
    %dma_start3A_36 = arith.constant 0 : i32
    %dma_start3A_37 = tpu.memref_slice %arg11[%dma_start3A_34, %dma_start3A_35, %dma_start3A_36] : memref<2x8x128xi32, #tpu.memory_space<vmem>> -> memref<1x8x128xi32, #tpu.memory_space<vmem>>
    %dma_start3A_38 = tpu.memref_squeeze %dma_start3A_37 : memref<1x8x128xi32, #tpu.memory_space<vmem>> -> memref<8x128xi32, #tpu.memory_space<vmem>>
    %dma_start3A_39 = arith.constant 0 : i32
    %dma_start3A_40 = tpu.memref_slice %arg7[%select_n3A, %dma_start3A_39] : memref<6400x128xi32, #tpu.memory_space<hbm>> -> memref<8x128xi32, #tpu.memory_space<hbm>>
    %dma_start3A_41 = arith.constant 0 : i32
    %dma_start3A_42 = arith.constant 0 : i32
    %dma_start3A_43 = tpu.memref_slice %arg11[%dma_start3A_34, %dma_start3A_41, %dma_start3A_42] : memref<2x8x128xi32, #tpu.memory_space<vmem>> -> memref<1x8x128xi32, #tpu.memory_space<vmem>>
    %dma_start3A_44 = tpu.memref_squeeze %dma_start3A_43 : memref<1x8x128xi32, #tpu.memory_space<vmem>> -> memref<8x128xi32, #tpu.memory_space<vmem>>
    %dma_start3A_45 = arith.constant 0 : i32
    %dma_start3A_46 = tpu.memref_slice %arg7[%select_n3A, %dma_start3A_45] : memref<6400x128xi32, #tpu.memory_space<hbm>> -> memref<8x128xi32, #tpu.memory_space<hbm>>
    tpu.enqueue_dma source(%dma_start3A_46 : memref<8x128xi32, #tpu.memory_space<hbm>>) target(%dma_start3A_44 : memref<8x128xi32, #tpu.memory_space<vmem>>) target_semaphore(%arg22 : memref<!tpu.dma_semaphore, #tpu.memory_space<semaphore_mem>>)
    %dma_start3A_47 = arith.constant 0 : i32
    %dma_start3A_48 = arith.constant 0 : i32
    %dma_start3A_49 = arith.constant 0 : i32
    %dma_start3A_50 = tpu.memref_slice %arg12[%dma_start3A_47, %dma_start3A_48, %dma_start3A_49] : memref<2x8x128xi32, #tpu.memory_space<vmem>> -> memref<1x8x128xi32, #tpu.memory_space<vmem>>
    %dma_start3A_51 = tpu.memref_squeeze %dma_start3A_50 : memref<1x8x128xi32, #tpu.memory_space<vmem>> -> memref<8x128xi32, #tpu.memory_space<vmem>>
    %dma_start3A_52 = arith.constant 0 : i32
    %dma_start3A_53 = tpu.memref_slice %arg8[%select_n3A, %dma_start3A_52] : memref<6400x128xi32, #tpu.memory_space<hbm>> -> memref<8x128xi32, #tpu.memory_space<hbm>>
    %dma_start3A_54 = arith.constant 0 : i32
    %dma_start3A_55 = arith.constant 0 : i32
    %dma_start3A_56 = tpu.memref_slice %arg12[%dma_start3A_47, %dma_start3A_54, %dma_start3A_55] : memref<2x8x128xi32, #tpu.memory_space<vmem>> -> memref<1x8x128xi32, #tpu.memory_space<vmem>>
    %dma_start3A_57 = tpu.memref_squeeze %dma_start3A_56 : memref<1x8x128xi32, #tpu.memory_space<vmem>> -> memref<8x128xi32, #tpu.memory_space<vmem>>
    %dma_start3A_58 = arith.constant 0 : i32
    %dma_start3A_59 = tpu.memref_slice %arg8[%select_n3A, %dma_start3A_58] : memref<6400x128xi32, #tpu.memory_space<hbm>> -> memref<8x128xi32, #tpu.memory_space<hbm>>
    tpu.enqueue_dma source(%dma_start3A_59 : memref<8x128xi32, #tpu.memory_space<hbm>>) target(%dma_start3A_57 : memref<8x128xi32, #tpu.memory_space<vmem>>) target_semaphore(%arg22 : memref<!tpu.dma_semaphore, #tpu.memory_space<semaphore_mem>>)
    %dma_start3A_60 = arith.constant 0 : i32
    %dma_start3A_61 = arith.constant 0 : i32
    %dma_start3A_62 = tpu.memref_slice %arg13[%dma_start3A_60, %dma_start3A_61] : memref<2x1024xf32, #tpu.memory_space<vmem>> -> memref<1x1024xf32, #tpu.memory_space<vmem>>
    %dma_start3A_63 = tpu.memref_squeeze %dma_start3A_62 : memref<1x1024xf32, #tpu.memory_space<vmem>> -> memref<1024xf32, #tpu.memory_space<vmem>>
    %dma_start3A_64 = tpu.memref_slice %arg5[%add3A_5] : memref<819200xf32, #tpu.memory_space<hbm>> -> memref<1024xf32, #tpu.memory_space<hbm>>
    %dma_start3A_65 = arith.constant 0 : i32
    %dma_start3A_66 = tpu.memref_slice %arg13[%dma_start3A_60, %dma_start3A_65] : memref<2x1024xf32, #tpu.memory_space<vmem>> -> memref<1x1024xf32, #tpu.memory_space<vmem>>
    %dma_start3A_67 = tpu.memref_squeeze %dma_start3A_66 : memref<1x1024xf32, #tpu.memory_space<vmem>> -> memref<1024xf32, #tpu.memory_space<vmem>>
    %dma_start3A_68 = tpu.memref_slice %arg5[%add3A_5] : memref<819200xf32, #tpu.memory_space<hbm>> -> memref<1024xf32, #tpu.memory_space<hbm>>
    tpu.enqueue_dma source(%dma_start3A_68 : memref<1024xf32, #tpu.memory_space<hbm>>) target(%dma_start3A_67 : memref<1024xf32, #tpu.memory_space<vmem>>) target_semaphore(%arg22 : memref<!tpu.dma_semaphore, #tpu.memory_space<semaphore_mem>>)
    %scan3A = arith.constant 0 : i32
    %scan3A_69 = arith.constant 25 : i32
    %scan3A_70 = arith.addi %scan3A, %scan3A_69 : i32
    %scan3A_71 = arith.constant 1 : i32
    scf.for %scan3A_112 = %scan3A to %scan3A_70 step %scan3A_71  : i32 {
      %mul3A_113 = arith.constant 1 : i32
      %mul3A_114 = arith.muli %scan3A_112, %mul3A_113 : i32
      %add3A_115 = arith.constant 0 : i32
      %add3A_116 = arith.addi %add3A_115, %mul3A_114 : i32
      %rem3A_117 = arith.constant 2 : i32
      %rem3A_118 = arith.remsi %add3A_116, %rem3A_117 : i32
      %mul3A_119 = arith.constant 1024 : i32
      %mul3A_120 = arith.muli %add3A_116, %mul3A_119 : i32
      %add3A_121 = arith.addi %mul3A_2, %mul3A_120 : i32
      %jit3A_122 = arith.constant 128 : i32
      %div3A_123 = arith.divsi %add3A_121, %jit3A_122 : i32
      %sign3A_124 = arith.constant 0 : i32
      %sign3A_125 = arith.cmpi sgt, %add3A_121, %sign3A_124 : i32
      %sign3A_126 = arith.extui %sign3A_125 : i1 to i32
      %sign3A_127 = arith.constant 0 : i32
      %sign3A_128 = arith.cmpi slt, %add3A_121, %sign3A_127 : i32
      %sign3A_129 = arith.extui %sign3A_128 : i1 to i32
      %sign3A_130 = arith.subi %sign3A_126, %sign3A_129 : i32
      %sign3A_131 = arith.constant 0 : i32
      %sign3A_132 = arith.cmpi sgt, %jit3A_122, %sign3A_131 : i32
      %sign3A_133 = arith.extui %sign3A_132 : i1 to i32
      %sign3A_134 = arith.constant 0 : i32
      %sign3A_135 = arith.cmpi slt, %jit3A_122, %sign3A_134 : i32
      %sign3A_136 = arith.extui %sign3A_135 : i1 to i32
      %sign3A_137 = arith.subi %sign3A_133, %sign3A_136 : i32
      %ne3A_138 = arith.cmpi ne, %sign3A_130, %sign3A_137 : i32
      %rem3A_139 = arith.remsi %add3A_121, %jit3A_122 : i32
      %ne3A_140 = arith.constant 0 : i32
      %ne3A_141 = arith.cmpi ne, %rem3A_139, %ne3A_140 : i32
      %and3A_142 = arith.andi %ne3A_138, %ne3A_141 : i1
      %sub3A_143 = arith.constant 1 : i32
      %sub3A_144 = arith.subi %div3A_123, %sub3A_143 : i32
      %select_n3A_145 = arith.select %and3A_142, %sub3A_144, %div3A_123 : i32
      %dma_wait3A_146 = arith.constant 0 : i32
      %dma_wait3A_147 = arith.constant 0 : i32
      %dma_wait3A_148 = tpu.memref_slice %arg10[%rem3A_118, %dma_wait3A_146, %dma_wait3A_147] : memref<2x8x128xi32, #tpu.memory_space<vmem>> -> memref<1x8x128xi32, #tpu.memory_space<vmem>>
      %dma_wait3A_149 = tpu.memref_squeeze %dma_wait3A_148 : memref<1x8x128xi32, #tpu.memory_space<vmem>> -> memref<8x128xi32, #tpu.memory_space<vmem>>
      %dma_wait3A_150 = arith.constant 0 : i32
      %dma_wait3A_151 = tpu.memref_slice %arg6[%select_n3A_145, %dma_wait3A_150] : memref<6400x128xi32, #tpu.memory_space<hbm>> -> memref<8x128xi32, #tpu.memory_space<hbm>>
      %dma_wait3A_152 = arith.constant 0 : i32
      %dma_wait3A_153 = arith.constant 0 : i32
      %dma_wait3A_154 = tpu.memref_slice %arg10[%rem3A_118, %dma_wait3A_152, %dma_wait3A_153] : memref<2x8x128xi32, #tpu.memory_space<vmem>> -> memref<1x8x128xi32, #tpu.memory_space<vmem>>
      %dma_wait3A_155 = tpu.memref_squeeze %dma_wait3A_154 : memref<1x8x128xi32, #tpu.memory_space<vmem>> -> memref<8x128xi32, #tpu.memory_space<vmem>>
      %dma_wait3A_156 = arith.constant 0 : i32
      %dma_wait3A_157 = tpu.memref_slice %arg6[%select_n3A_145, %dma_wait3A_156] : memref<6400x128xi32, #tpu.memory_space<hbm>> -> memref<8x128xi32, #tpu.memory_space<hbm>>
      tpu.wait_dma2 semaphore(%arg22 : memref<!tpu.dma_semaphore, #tpu.memory_space<semaphore_mem>>) src(%dma_wait3A_157 : memref<8x128xi32, #tpu.memory_space<hbm>>) dst(%dma_wait3A_155 : memref<8x128xi32, #tpu.memory_space<vmem>>)
      %dma_wait3A_158 = arith.constant 0 : i32
      %dma_wait3A_159 = arith.constant 0 : i32
      %dma_wait3A_160 = tpu.memref_slice %arg11[%rem3A_118, %dma_wait3A_158, %dma_wait3A_159] : memref<2x8x128xi32, #tpu.memory_space<vmem>> -> memref<1x8x128xi32, #tpu.memory_space<vmem>>
      %dma_wait3A_161 = tpu.memref_squeeze %dma_wait3A_160 : memref<1x8x128xi32, #tpu.memory_space<vmem>> -> memref<8x128xi32, #tpu.memory_space<vmem>>
      %dma_wait3A_162 = arith.constant 0 : i32
      %dma_wait3A_163 = tpu.memref_slice %arg7[%select_n3A_145, %dma_wait3A_162] : memref<6400x128xi32, #tpu.memory_space<hbm>> -> memref<8x128xi32, #tpu.memory_space<hbm>>
      %dma_wait3A_164 = arith.constant 0 : i32
      %dma_wait3A_165 = arith.constant 0 : i32
      %dma_wait3A_166 = tpu.memref_slice %arg11[%rem3A_118, %dma_wait3A_164, %dma_wait3A_165] : memref<2x8x128xi32, #tpu.memory_space<vmem>> -> memref<1x8x128xi32, #tpu.memory_space<vmem>>
      %dma_wait3A_167 = tpu.memref_squeeze %dma_wait3A_166 : memref<1x8x128xi32, #tpu.memory_space<vmem>> -> memref<8x128xi32, #tpu.memory_space<vmem>>
      %dma_wait3A_168 = arith.constant 0 : i32
      %dma_wait3A_169 = tpu.memref_slice %arg7[%select_n3A_145, %dma_wait3A_168] : memref<6400x128xi32, #tpu.memory_space<hbm>> -> memref<8x128xi32, #tpu.memory_space<hbm>>
      tpu.wait_dma2 semaphore(%arg22 : memref<!tpu.dma_semaphore, #tpu.memory_space<semaphore_mem>>) src(%dma_wait3A_169 : memref<8x128xi32, #tpu.memory_space<hbm>>) dst(%dma_wait3A_167 : memref<8x128xi32, #tpu.memory_space<vmem>>)
      %dma_wait3A_170 = arith.constant 0 : i32
      %dma_wait3A_171 = arith.constant 0 : i32
      %dma_wait3A_172 = tpu.memref_slice %arg12[%rem3A_118, %dma_wait3A_170, %dma_wait3A_171] : memref<2x8x128xi32, #tpu.memory_space<vmem>> -> memref<1x8x128xi32, #tpu.memory_space<vmem>>
      %dma_wait3A_173 = tpu.memref_squeeze %dma_wait3A_172 : memref<1x8x128xi32, #tpu.memory_space<vmem>> -> memref<8x128xi32, #tpu.memory_space<vmem>>
      %dma_wait3A_174 = arith.constant 0 : i32
      %dma_wait3A_175 = tpu.memref_slice %arg8[%select_n3A_145, %dma_wait3A_174] : memref<6400x128xi32, #tpu.memory_space<hbm>> -> memref<8x128xi32, #tpu.memory_space<hbm>>
      %dma_wait3A_176 = arith.constant 0 : i32
      %dma_wait3A_177 = arith.constant 0 : i32
      %dma_wait3A_178 = tpu.memref_slice %arg12[%rem3A_118, %dma_wait3A_176, %dma_wait3A_177] : memref<2x8x128xi32, #tpu.memory_space<vmem>> -> memref<1x8x128xi32, #tpu.memory_space<vmem>>
      %dma_wait3A_179 = tpu.memref_squeeze %dma_wait3A_178 : memref<1x8x128xi32, #tpu.memory_space<vmem>> -> memref<8x128xi32, #tpu.memory_space<vmem>>
      %dma_wait3A_180 = arith.constant 0 : i32
      %dma_wait3A_181 = tpu.memref_slice %arg8[%select_n3A_145, %dma_wait3A_180] : memref<6400x128xi32, #tpu.memory_space<hbm>> -> memref<8x128xi32, #tpu.memory_space<hbm>>
      tpu.wait_dma2 semaphore(%arg22 : memref<!tpu.dma_semaphore, #tpu.memory_space<semaphore_mem>>) src(%dma_wait3A_181 : memref<8x128xi32, #tpu.memory_space<hbm>>) dst(%dma_wait3A_179 : memref<8x128xi32, #tpu.memory_space<vmem>>)
      %dma_wait3A_182 = arith.constant 0 : i32
      %dma_wait3A_183 = tpu.memref_slice %arg13[%rem3A_118, %dma_wait3A_182] : memref<2x1024xf32, #tpu.memory_space<vmem>> -> memref<1x1024xf32, #tpu.memory_space<vmem>>
      %dma_wait3A_184 = tpu.memref_squeeze %dma_wait3A_183 : memref<1x1024xf32, #tpu.memory_space<vmem>> -> memref<1024xf32, #tpu.memory_space<vmem>>
      %dma_wait3A_185 = tpu.memref_slice %arg5[%add3A_121] : memref<819200xf32, #tpu.memory_space<hbm>> -> memref<1024xf32, #tpu.memory_space<hbm>>
      %dma_wait3A_186 = arith.constant 0 : i32
      %dma_wait3A_187 = tpu.memref_slice %arg13[%rem3A_118, %dma_wait3A_186] : memref<2x1024xf32, #tpu.memory_space<vmem>> -> memref<1x1024xf32, #tpu.memory_space<vmem>>
      %dma_wait3A_188 = tpu.memref_squeeze %dma_wait3A_187 : memref<1x1024xf32, #tpu.memory_space<vmem>> -> memref<1024xf32, #tpu.memory_space<vmem>>
      %dma_wait3A_189 = tpu.memref_slice %arg5[%add3A_121] : memref<819200xf32, #tpu.memory_space<hbm>> -> memref<1024xf32, #tpu.memory_space<hbm>>
      tpu.wait_dma2 semaphore(%arg22 : memref<!tpu.dma_semaphore, #tpu.memory_space<semaphore_mem>>) src(%dma_wait3A_189 : memref<1024xf32, #tpu.memory_space<hbm>>) dst(%dma_wait3A_188 : memref<1024xf32, #tpu.memory_space<vmem>>)
      %gt3A = arith.constant 0 : i32
      %gt3A_190 = arith.cmpi sgt, %add3A_116, %gt3A : i32
      %convert_element_type3A = arith.extui %gt3A_190 : i1 to i32
      %cond3A = arith.constant 0 : i32
      %cond3A_191 = arith.cmpi ne, %convert_element_type3A, %cond3A : i32
      scf.if %cond3A_191 {
        %sub3A_1106 = arith.constant 1 : i32
        %sub3A_1107 = arith.subi %add3A_116, %sub3A_1106 : i32
        %mul3A_1108 = arith.constant 1024 : i32
        %mul3A_1109 = arith.muli %sub3A_1107, %mul3A_1108 : i32
        %add3A_1110 = arith.addi %mul3A_2, %mul3A_1109 : i32
        %add3A_1111 = arith.constant 0 : i32
        %add3A_1112 = arith.addi %add3A_1110, %add3A_1111 : i32
        %dma_wait3A_1113 = arith.constant 0 : i32
        %dma_wait3A_1114 = tpu.memref_slice %arg9[%add3A_1112, %dma_wait3A_1113] : memref<819200x97xf32, #tpu.memory_space<hbm>> -> memref<512x32xf32, #tpu.memory_space<hbm>>
        %dma_wait3A_1115 = arith.constant 0 : i32
        %dma_wait3A_1116 = tpu.memref_slice %arg9[%add3A_1112, %dma_wait3A_1115] : memref<819200x97xf32, #tpu.memory_space<hbm>> -> memref<512x32xf32, #tpu.memory_space<hbm>>
        tpu.wait_dma2 semaphore(%arg24 : memref<!tpu.dma_semaphore, #tpu.memory_space<semaphore_mem>>) src(%arg16 : memref<512x32xf32, #tpu.memory_space<vmem>>) dst(%dma_wait3A_1116 : memref<512x32xf32, #tpu.memory_space<hbm>>)
        %dma_wait3A_1117 = arith.constant 32 : i32
        %dma_wait3A_1118 = tpu.memref_slice %arg9[%add3A_1112, %dma_wait3A_1117] : memref<819200x97xf32, #tpu.memory_space<hbm>> -> memref<512x32xf32, #tpu.memory_space<hbm>>
        %dma_wait3A_1119 = arith.constant 32 : i32
        %dma_wait3A_1120 = tpu.memref_slice %arg9[%add3A_1112, %dma_wait3A_1119] : memref<819200x97xf32, #tpu.memory_space<hbm>> -> memref<512x32xf32, #tpu.memory_space<hbm>>
        tpu.wait_dma2 semaphore(%arg24 : memref<!tpu.dma_semaphore, #tpu.memory_space<semaphore_mem>>) src(%arg17 : memref<512x32xf32, #tpu.memory_space<vmem>>) dst(%dma_wait3A_1120 : memref<512x32xf32, #tpu.memory_space<hbm>>)
        %dma_wait3A_1121 = arith.constant 64 : i32
        %dma_wait3A_1122 = tpu.memref_slice %arg9[%add3A_1112, %dma_wait3A_1121] : memref<819200x97xf32, #tpu.memory_space<hbm>> -> memref<512x32xf32, #tpu.memory_space<hbm>>
        %dma_wait3A_1123 = arith.constant 64 : i32
        %dma_wait3A_1124 = tpu.memref_slice %arg9[%add3A_1112, %dma_wait3A_1123] : memref<819200x97xf32, #tpu.memory_space<hbm>> -> memref<512x32xf32, #tpu.memory_space<hbm>>
        tpu.wait_dma2 semaphore(%arg24 : memref<!tpu.dma_semaphore, #tpu.memory_space<semaphore_mem>>) src(%arg18 : memref<512x32xf32, #tpu.memory_space<vmem>>) dst(%dma_wait3A_1124 : memref<512x32xf32, #tpu.memory_space<hbm>>)
        %dma_wait3A_1125 = arith.constant 96 : i32
        %dma_wait3A_1126 = tpu.memref_slice %arg9[%add3A_1112, %dma_wait3A_1125] : memref<819200x97xf32, #tpu.memory_space<hbm>> -> memref<512x1xf32, #tpu.memory_space<hbm>>
        %dma_wait3A_1127 = arith.constant 96 : i32
        %dma_wait3A_1128 = tpu.memref_slice %arg9[%add3A_1112, %dma_wait3A_1127] : memref<819200x97xf32, #tpu.memory_space<hbm>> -> memref<512x1xf32, #tpu.memory_space<hbm>>
        tpu.wait_dma2 semaphore(%arg24 : memref<!tpu.dma_semaphore, #tpu.memory_space<semaphore_mem>>) src(%arg14 : memref<512x1xf32, #tpu.memory_space<vmem>>) dst(%dma_wait3A_1128 : memref<512x1xf32, #tpu.memory_space<hbm>>)
      } else {
      }
      %dma_start3A_192 = arith.constant 0 : i32
      %dma_start3A_193 = arith.constant 0 : i32
      %dma_start3A_194 = arith.constant 0 : i32
      %dma_start3A_195 = tpu.memref_slice %arg16[%dma_start3A_193, %dma_start3A_194] : memref<512x32xf32, #tpu.memory_space<vmem>> -> memref<128x32xf32, #tpu.memory_space<vmem>>
      %dma_start3A_196 = arith.constant 0 : i32
      %dma_start3A_197 = tpu.memref_slice %arg10[%rem3A_118, %dma_start3A_192, %dma_start3A_196] : memref<2x8x128xi32, #tpu.memory_space<vmem>> -> memref<1x1x128xi32, #tpu.memory_space<vmem>>
      %dma_start3A_198 = tpu.memref_squeeze %dma_start3A_197 : memref<1x1x128xi32, #tpu.memory_space<vmem>> -> memref<128xi32, #tpu.memory_space<vmem>>
      %dma_start3A_199 = arith.constant 0 : i32
      %dma_start3A_200 = arith.constant 0 : i32
      %dma_start3A_201 = tpu.memref_slice %arg2[%dma_start3A_199, %dma_start3A_200] : memref<1000000x32xf32, #tpu.memory_space<hbm>> -> memref<1000000x32xf32, #tpu.memory_space<hbm>>
      tpu.enqueue_indirect_dma source(%dma_start3A_201 : memref<1000000x32xf32, #tpu.memory_space<hbm>>) target(%dma_start3A_195 : memref<128x32xf32, #tpu.memory_space<vmem>>) offsets(%dma_start3A_198 : memref<128xi32, #tpu.memory_space<vmem>>) semaphore(%arg23 : memref<!tpu.dma_semaphore, #tpu.memory_space<semaphore_mem>>)
      %dma_start3A_202 = arith.constant 0 : i32
      %dma_start3A_203 = arith.constant 0 : i32
      %dma_start3A_204 = arith.constant 0 : i32
      %dma_start3A_205 = tpu.memref_slice %arg17[%dma_start3A_203, %dma_start3A_204] : memref<512x32xf32, #tpu.memory_space<vmem>> -> memref<128x32xf32, #tpu.memory_space<vmem>>
      %dma_start3A_206 = arith.constant 0 : i32
      %dma_start3A_207 = tpu.memref_slice %arg11[%rem3A_118, %dma_start3A_202, %dma_start3A_206] : memref<2x8x128xi32, #tpu.memory_space<vmem>> -> memref<1x1x128xi32, #tpu.memory_space<vmem>>
      %dma_start3A_208 = tpu.memref_squeeze %dma_start3A_207 : memref<1x1x128xi32, #tpu.memory_space<vmem>> -> memref<128xi32, #tpu.memory_space<vmem>>
      %dma_start3A_209 = arith.constant 0 : i32
      %dma_start3A_210 = arith.constant 0 : i32
      %dma_start3A_211 = tpu.memref_slice %arg3[%dma_start3A_209, %dma_start3A_210] : memref<100000x32xf32, #tpu.memory_space<hbm>> -> memref<100000x32xf32, #tpu.memory_space<hbm>>
      tpu.enqueue_indirect_dma source(%dma_start3A_211 : memref<100000x32xf32, #tpu.memory_space<hbm>>) target(%dma_start3A_205 : memref<128x32xf32, #tpu.memory_space<vmem>>) offsets(%dma_start3A_208 : memref<128xi32, #tpu.memory_space<vmem>>) semaphore(%arg23 : memref<!tpu.dma_semaphore, #tpu.memory_space<semaphore_mem>>)
      %dma_start3A_212 = arith.constant 0 : i32
      %dma_start3A_213 = arith.constant 0 : i32
      %dma_start3A_214 = arith.constant 0 : i32
      %dma_start3A_215 = tpu.memref_slice %arg18[%dma_start3A_213, %dma_start3A_214] : memref<512x32xf32, #tpu.memory_space<vmem>> -> memref<128x32xf32, #tpu.memory_space<vmem>>
      %dma_start3A_216 = arith.constant 0 : i32
      %dma_start3A_217 = tpu.memref_slice %arg12[%rem3A_118, %dma_start3A_212, %dma_start3A_216] : memref<2x8x128xi32, #tpu.memory_space<vmem>> -> memref<1x1x128xi32, #tpu.memory_space<vmem>>
      %dma_start3A_218 = tpu.memref_squeeze %dma_start3A_217 : memref<1x1x128xi32, #tpu.memory_space<vmem>> -> memref<128xi32, #tpu.memory_space<vmem>>
      %dma_start3A_219 = arith.constant 0 : i32
      %dma_start3A_220 = arith.constant 0 : i32
      %dma_start3A_221 = tpu.memref_slice %arg4[%dma_start3A_219, %dma_start3A_220] : memref<1000x32xf32, #tpu.memory_space<hbm>> -> memref<1000x32xf32, #tpu.memory_space<hbm>>
      tpu.enqueue_indirect_dma source(%dma_start3A_221 : memref<1000x32xf32, #tpu.memory_space<hbm>>) target(%dma_start3A_215 : memref<128x32xf32, #tpu.memory_space<vmem>>) offsets(%dma_start3A_218 : memref<128xi32, #tpu.memory_space<vmem>>) semaphore(%arg23 : memref<!tpu.dma_semaphore, #tpu.memory_space<semaphore_mem>>)
      %dma_start3A_222 = arith.constant 1 : i32
      %dma_start3A_223 = arith.constant 128 : i32
      %dma_start3A_224 = arith.constant 0 : i32
      %dma_start3A_225 = tpu.memref_slice %arg16[%dma_start3A_223, %dma_start3A_224] : memref<512x32xf32, #tpu.memory_space<vmem>> -> memref<128x32xf32, #tpu.memory_space<vmem>>
      %dma_start3A_226 = arith.constant 0 : i32
      %dma_start3A_227 = tpu.memref_slice %arg10[%rem3A_118, %dma_start3A_222, %dma_start3A_226] : memref<2x8x128xi32, #tpu.memory_space<vmem>> -> memref<1x1x128xi32, #tpu.memory_space<vmem>>
      %dma_start3A_228 = tpu.memref_squeeze %dma_start3A_227 : memref<1x1x128xi32, #tpu.memory_space<vmem>> -> memref<128xi32, #tpu.memory_space<vmem>>
      %dma_start3A_229 = arith.constant 0 : i32
      %dma_start3A_230 = arith.constant 0 : i32
      %dma_start3A_231 = tpu.memref_slice %arg2[%dma_start3A_229, %dma_start3A_230] : memref<1000000x32xf32, #tpu.memory_space<hbm>> -> memref<1000000x32xf32, #tpu.memory_space<hbm>>
      tpu.enqueue_indirect_dma source(%dma_start3A_231 : memref<1000000x32xf32, #tpu.memory_space<hbm>>) target(%dma_start3A_225 : memref<128x32xf32, #tpu.memory_space<vmem>>) offsets(%dma_start3A_228 : memref<128xi32, #tpu.memory_space<vmem>>) semaphore(%arg23 : memref<!tpu.dma_semaphore, #tpu.memory_space<semaphore_mem>>)
      %dma_start3A_232 = arith.constant 1 : i32
      %dma_start3A_233 = arith.constant 128 : i32
      %dma_start3A_234 = arith.constant 0 : i32
      %dma_start3A_235 = tpu.memref_slice %arg17[%dma_start3A_233, %dma_start3A_234] : memref<512x32xf32, #tpu.memory_space<vmem>> -> memref<128x32xf32, #tpu.memory_space<vmem>>
      %dma_start3A_236 = arith.constant 0 : i32
      %dma_start3A_237 = tpu.memref_slice %arg11[%rem3A_118, %dma_start3A_232, %dma_start3A_236] : memref<2x8x128xi32, #tpu.memory_space<vmem>> -> memref<1x1x128xi32, #tpu.memory_space<vmem>>
      %dma_start3A_238 = tpu.memref_squeeze %dma_start3A_237 : memref<1x1x128xi32, #tpu.memory_space<vmem>> -> memref<128xi32, #tpu.memory_space<vmem>>
      %dma_start3A_239 = arith.constant 0 : i32
      %dma_start3A_240 = arith.constant 0 : i32
      %dma_start3A_241 = tpu.memref_slice %arg3[%dma_start3A_239, %dma_start3A_240] : memref<100000x32xf32, #tpu.memory_space<hbm>> -> memref<100000x32xf32, #tpu.memory_space<hbm>>
      tpu.enqueue_indirect_dma source(%dma_start3A_241 : memref<100000x32xf32, #tpu.memory_space<hbm>>) target(%dma_start3A_235 : memref<128x32xf32, #tpu.memory_space<vmem>>) offsets(%dma_start3A_238 : memref<128xi32, #tpu.memory_space<vmem>>) semaphore(%arg23 : memref<!tpu.dma_semaphore, #tpu.memory_space<semaphore_mem>>)
      %dma_start3A_242 = arith.constant 1 : i32
      %dma_start3A_243 = arith.constant 128 : i32
      %dma_start3A_244 = arith.constant 0 : i32
      %dma_start3A_245 = tpu.memref_slice %arg18[%dma_start3A_243, %dma_start3A_244] : memref<512x32xf32, #tpu.memory_space<vmem>> -> memref<128x32xf32, #tpu.memory_space<vmem>>
      %dma_start3A_246 = arith.constant 0 : i32
      %dma_start3A_247 = tpu.memref_slice %arg12[%rem3A_118, %dma_start3A_242, %dma_start3A_246] : memref<2x8x128xi32, #tpu.memory_space<vmem>> -> memref<1x1x128xi32, #tpu.memory_space<vmem>>
      %dma_start3A_248 = tpu.memref_squeeze %dma_start3A_247 : memref<1x1x128xi32, #tpu.memory_space<vmem>> -> memref<128xi32, #tpu.memory_space<vmem>>
      %dma_start3A_249 = arith.constant 0 : i32
      %dma_start3A_250 = arith.constant 0 : i32
      %dma_start3A_251 = tpu.memref_slice %arg4[%dma_start3A_249, %dma_start3A_250] : memref<1000x32xf32, #tpu.memory_space<hbm>> -> memref<1000x32xf32, #tpu.memory_space<hbm>>
      tpu.enqueue_indirect_dma source(%dma_start3A_251 : memref<1000x32xf32, #tpu.memory_space<hbm>>) target(%dma_start3A_245 : memref<128x32xf32, #tpu.memory_space<vmem>>) offsets(%dma_start3A_248 : memref<128xi32, #tpu.memory_space<vmem>>) semaphore(%arg23 : memref<!tpu.dma_semaphore, #tpu.memory_space<semaphore_mem>>)
      %dma_start3A_252 = arith.constant 2 : i32
      %dma_start3A_253 = arith.constant 256 : i32
      %dma_start3A_254 = arith.constant 0 : i32
      %dma_start3A_255 = tpu.memref_slice %arg16[%dma_start3A_253, %dma_start3A_254] : memref<512x32xf32, #tpu.memory_space<vmem>> -> memref<128x32xf32, #tpu.memory_space<vmem>>
      %dma_start3A_256 = arith.constant 0 : i32
      %dma_start3A_257 = tpu.memref_slice %arg10[%rem3A_118, %dma_start3A_252, %dma_start3A_256] : memref<2x8x128xi32, #tpu.memory_space<vmem>> -> memref<1x1x128xi32, #tpu.memory_space<vmem>>
      %dma_start3A_258 = tpu.memref_squeeze %dma_start3A_257 : memref<1x1x128xi32, #tpu.memory_space<vmem>> -> memref<128xi32, #tpu.memory_space<vmem>>
      %dma_start3A_259 = arith.constant 0 : i32
      %dma_start3A_260 = arith.constant 0 : i32
      %dma_start3A_261 = tpu.memref_slice %arg2[%dma_start3A_259, %dma_start3A_260] : memref<1000000x32xf32, #tpu.memory_space<hbm>> -> memref<1000000x32xf32, #tpu.memory_space<hbm>>
      tpu.enqueue_indirect_dma source(%dma_start3A_261 : memref<1000000x32xf32, #tpu.memory_space<hbm>>) target(%dma_start3A_255 : memref<128x32xf32, #tpu.memory_space<vmem>>) offsets(%dma_start3A_258 : memref<128xi32, #tpu.memory_space<vmem>>) semaphore(%arg23 : memref<!tpu.dma_semaphore, #tpu.memory_space<semaphore_mem>>)
      %dma_start3A_262 = arith.constant 2 : i32
      %dma_start3A_263 = arith.constant 256 : i32
      %dma_start3A_264 = arith.constant 0 : i32
      %dma_start3A_265 = tpu.memref_slice %arg17[%dma_start3A_263, %dma_start3A_264] : memref<512x32xf32, #tpu.memory_space<vmem>> -> memref<128x32xf32, #tpu.memory_space<vmem>>
      %dma_start3A_266 = arith.constant 0 : i32
      %dma_start3A_267 = tpu.memref_slice %arg11[%rem3A_118, %dma_start3A_262, %dma_start3A_266] : memref<2x8x128xi32, #tpu.memory_space<vmem>> -> memref<1x1x128xi32, #tpu.memory_space<vmem>>
      %dma_start3A_268 = tpu.memref_squeeze %dma_start3A_267 : memref<1x1x128xi32, #tpu.memory_space<vmem>> -> memref<128xi32, #tpu.memory_space<vmem>>
      %dma_start3A_269 = arith.constant 0 : i32
      %dma_start3A_270 = arith.constant 0 : i32
      %dma_start3A_271 = tpu.memref_slice %arg3[%dma_start3A_269, %dma_start3A_270] : memref<100000x32xf32, #tpu.memory_space<hbm>> -> memref<100000x32xf32, #tpu.memory_space<hbm>>
      tpu.enqueue_indirect_dma source(%dma_start3A_271 : memref<100000x32xf32, #tpu.memory_space<hbm>>) target(%dma_start3A_265 : memref<128x32xf32, #tpu.memory_space<vmem>>) offsets(%dma_start3A_268 : memref<128xi32, #tpu.memory_space<vmem>>) semaphore(%arg23 : memref<!tpu.dma_semaphore, #tpu.memory_space<semaphore_mem>>)
      %dma_start3A_272 = arith.constant 2 : i32
      %dma_start3A_273 = arith.constant 256 : i32
      %dma_start3A_274 = arith.constant 0 : i32
      %dma_start3A_275 = tpu.memref_slice %arg18[%dma_start3A_273, %dma_start3A_274] : memref<512x32xf32, #tpu.memory_space<vmem>> -> memref<128x32xf32, #tpu.memory_space<vmem>>
      %dma_start3A_276 = arith.constant 0 : i32
      %dma_start3A_277 = tpu.memref_slice %arg12[%rem3A_118, %dma_start3A_272, %dma_start3A_276] : memref<2x8x128xi32, #tpu.memory_space<vmem>> -> memref<1x1x128xi32, #tpu.memory_space<vmem>>
      %dma_start3A_278 = tpu.memref_squeeze %dma_start3A_277 : memref<1x1x128xi32, #tpu.memory_space<vmem>> -> memref<128xi32, #tpu.memory_space<vmem>>
      %dma_start3A_279 = arith.constant 0 : i32
      %dma_start3A_280 = arith.constant 0 : i32
      %dma_start3A_281 = tpu.memref_slice %arg4[%dma_start3A_279, %dma_start3A_280] : memref<1000x32xf32, #tpu.memory_space<hbm>> -> memref<1000x32xf32, #tpu.memory_space<hbm>>
      tpu.enqueue_indirect_dma source(%dma_start3A_281 : memref<1000x32xf32, #tpu.memory_space<hbm>>) target(%dma_start3A_275 : memref<128x32xf32, #tpu.memory_space<vmem>>) offsets(%dma_start3A_278 : memref<128xi32, #tpu.memory_space<vmem>>) semaphore(%arg23 : memref<!tpu.dma_semaphore, #tpu.memory_space<semaphore_mem>>)
      %dma_start3A_282 = arith.constant 3 : i32
      %dma_start3A_283 = arith.constant 384 : i32
      %dma_start3A_284 = arith.constant 0 : i32
      %dma_start3A_285 = tpu.memref_slice %arg16[%dma_start3A_283, %dma_start3A_284] : memref<512x32xf32, #tpu.memory_space<vmem>> -> memref<128x32xf32, #tpu.memory_space<vmem>>
      %dma_start3A_286 = arith.constant 0 : i32
      %dma_start3A_287 = tpu.memref_slice %arg10[%rem3A_118, %dma_start3A_282, %dma_start3A_286] : memref<2x8x128xi32, #tpu.memory_space<vmem>> -> memref<1x1x128xi32, #tpu.memory_space<vmem>>
      %dma_start3A_288 = tpu.memref_squeeze %dma_start3A_287 : memref<1x1x128xi32, #tpu.memory_space<vmem>> -> memref<128xi32, #tpu.memory_space<vmem>>
      %dma_start3A_289 = arith.constant 0 : i32
      %dma_start3A_290 = arith.constant 0 : i32
      %dma_start3A_291 = tpu.memref_slice %arg2[%dma_start3A_289, %dma_start3A_290] : memref<1000000x32xf32, #tpu.memory_space<hbm>> -> memref<1000000x32xf32, #tpu.memory_space<hbm>>
      tpu.enqueue_indirect_dma source(%dma_start3A_291 : memref<1000000x32xf32, #tpu.memory_space<hbm>>) target(%dma_start3A_285 : memref<128x32xf32, #tpu.memory_space<vmem>>) offsets(%dma_start3A_288 : memref<128xi32, #tpu.memory_space<vmem>>) semaphore(%arg23 : memref<!tpu.dma_semaphore, #tpu.memory_space<semaphore_mem>>)
      %dma_start3A_292 = arith.constant 3 : i32
      %dma_start3A_293 = arith.constant 384 : i32
      %dma_start3A_294 = arith.constant 0 : i32
      %dma_start3A_295 = tpu.memref_slice %arg17[%dma_start3A_293, %dma_start3A_294] : memref<512x32xf32, #tpu.memory_space<vmem>> -> memref<128x32xf32, #tpu.memory_space<vmem>>
      %dma_start3A_296 = arith.constant 0 : i32
      %dma_start3A_297 = tpu.memref_slice %arg11[%rem3A_118, %dma_start3A_292, %dma_start3A_296] : memref<2x8x128xi32, #tpu.memory_space<vmem>> -> memref<1x1x128xi32, #tpu.memory_space<vmem>>
      %dma_start3A_298 = tpu.memref_squeeze %dma_start3A_297 : memref<1x1x128xi32, #tpu.memory_space<vmem>> -> memref<128xi32, #tpu.memory_space<vmem>>
      %dma_start3A_299 = arith.constant 0 : i32
      %dma_start3A_300 = arith.constant 0 : i32
      %dma_start3A_301 = tpu.memref_slice %arg3[%dma_start3A_299, %dma_start3A_300] : memref<100000x32xf32, #tpu.memory_space<hbm>> -> memref<100000x32xf32, #tpu.memory_space<hbm>>
      tpu.enqueue_indirect_dma source(%dma_start3A_301 : memref<100000x32xf32, #tpu.memory_space<hbm>>) target(%dma_start3A_295 : memref<128x32xf32, #tpu.memory_space<vmem>>) offsets(%dma_start3A_298 : memref<128xi32, #tpu.memory_space<vmem>>) semaphore(%arg23 : memref<!tpu.dma_semaphore, #tpu.memory_space<semaphore_mem>>)
      %dma_start3A_302 = arith.constant 3 : i32
      %dma_start3A_303 = arith.constant 384 : i32
      %dma_start3A_304 = arith.constant 0 : i32
      %dma_start3A_305 = tpu.memref_slice %arg18[%dma_start3A_303, %dma_start3A_304] : memref<512x32xf32, #tpu.memory_space<vmem>> -> memref<128x32xf32, #tpu.memory_space<vmem>>
      %dma_start3A_306 = arith.constant 0 : i32
      %dma_start3A_307 = tpu.memref_slice %arg12[%rem3A_118, %dma_start3A_302, %dma_start3A_306] : memref<2x8x128xi32, #tpu.memory_space<vmem>> -> memref<1x1x128xi32, #tpu.memory_space<vmem>>
      %dma_start3A_308 = tpu.memref_squeeze %dma_start3A_307 : memref<1x1x128xi32, #tpu.memory_space<vmem>> -> memref<128xi32, #tpu.memory_space<vmem>>
      %dma_start3A_309 = arith.constant 0 : i32
      %dma_start3A_310 = arith.constant 0 : i32
      %dma_start3A_311 = tpu.memref_slice %arg4[%dma_start3A_309, %dma_start3A_310] : memref<1000x32xf32, #tpu.memory_space<hbm>> -> memref<1000x32xf32, #tpu.memory_space<hbm>>
      tpu.enqueue_indirect_dma source(%dma_start3A_311 : memref<1000x32xf32, #tpu.memory_space<hbm>>) target(%dma_start3A_305 : memref<128x32xf32, #tpu.memory_space<vmem>>) offsets(%dma_start3A_308 : memref<128xi32, #tpu.memory_space<vmem>>) semaphore(%arg23 : memref<!tpu.dma_semaphore, #tpu.memory_space<semaphore_mem>>)
      %get3A = arith.index_cast %rem3A_118 : i32 to index
      %get3A_312 = arith.constant 0 : index
      %get3A_313 = tpu.vector_load %arg13[%get3A, %get3A_312] {strides = array<i32>} : memref<2x1024xf32, #tpu.memory_space<vmem>>, vector<16xf32>,
      %add3A_314 = arith.constant 0 : i32
      %add3A_315 = vector.broadcast %add3A_314 : i32 to vector<16xi32>
      %add3A_316 = arith.addi %iota3A, %add3A_315 : vector<16xi32>
      tpu.vector_store_idx %arg14[%add3A_316, %broadcast_in_dim3A_3], %get3A_313 : memref<512x1xf32, #tpu.memory_space<vmem>>[vector<16xi32>, vector<16xi32>], vector<16xf32>,
      %get3A_317 = arith.index_cast %rem3A_118 : i32 to index
      %get3A_318 = arith.constant 16 : index
      %get3A_319 = tpu.vector_load %arg13[%get3A_317, %get3A_318] {strides = array<i32>} : memref<2x1024xf32, #tpu.memory_space<vmem>>, vector<16xf32>,
      %add3A_320 = arith.constant 16 : i32
      %add3A_321 = vector.broadcast %add3A_320 : i32 to vector<16xi32>
      %add3A_322 = arith.addi %iota3A, %add3A_321 : vector<16xi32>
      tpu.vector_store_idx %arg14[%add3A_322, %broadcast_in_dim3A_3], %get3A_319 : memref<512x1xf32, #tpu.memory_space<vmem>>[vector<16xi32>, vector<16xi32>], vector<16xf32>,
      %get3A_323 = arith.index_cast %rem3A_118 : i32 to index
      %get3A_324 = arith.constant 32 : index
      %get3A_325 = tpu.vector_load %arg13[%get3A_323, %get3A_324] {strides = array<i32>} : memref<2x1024xf32, #tpu.memory_space<vmem>>, vector<16xf32>,
      %add3A_326 = arith.constant 32 : i32
      %add3A_327 = vector.broadcast %add3A_326 : i32 to vector<16xi32>
      %add3A_328 = arith.addi %iota3A, %add3A_327 : vector<16xi32>
      tpu.vector_store_idx %arg14[%add3A_328, %broadcast_in_dim3A_3], %get3A_325 : memref<512x1xf32, #tpu.memory_space<vmem>>[vector<16xi32>, vector<16xi32>], vector<16xf32>,
      %get3A_329 = arith.index_cast %rem3A_118 : i32 to index
      %get3A_330 = arith.constant 48 : index
      %get3A_331 = tpu.vector_load %arg13[%get3A_329, %get3A_330] {strides = array<i32>} : memref<2x1024xf32, #tpu.memory_space<vmem>>, vector<16xf32>,
      %add3A_332 = arith.constant 48 : i32
      %add3A_333 = vector.broadcast %add3A_332 : i32 to vector<16xi32>
      %add3A_334 = arith.addi %iota3A, %add3A_333 : vector<16xi32>
      tpu.vector_store_idx %arg14[%add3A_334, %broadcast_in_dim3A_3], %get3A_331 : memref<512x1xf32, #tpu.memory_space<vmem>>[vector<16xi32>, vector<16xi32>], vector<16xf32>,
      %get3A_335 = arith.index_cast %rem3A_118 : i32 to index
      %get3A_336 = arith.constant 64 : index
      %get3A_337 = tpu.vector_load %arg13[%get3A_335, %get3A_336] {strides = array<i32>} : memref<2x1024xf32, #tpu.memory_space<vmem>>, vector<16xf32>,
      %add3A_338 = arith.constant 64 : i32
      %add3A_339 = vector.broadcast %add3A_338 : i32 to vector<16xi32>
      %add3A_340 = arith.addi %iota3A, %add3A_339 : vector<16xi32>
      tpu.vector_store_idx %arg14[%add3A_340, %broadcast_in_dim3A_3], %get3A_337 : memref<512x1xf32, #tpu.memory_space<vmem>>[vector<16xi32>, vector<16xi32>], vector<16xf32>,
      %get3A_341 = arith.index_cast %rem3A_118 : i32 to index
      %get3A_342 = arith.constant 80 : index
      %get3A_343 = tpu.vector_load %arg13[%get3A_341, %get3A_342] {strides = array<i32>} : memref<2x1024xf32, #tpu.memory_space<vmem>>, vector<16xf32>,
      %add3A_344 = arith.constant 80 : i32
      %add3A_345 = vector.broadcast %add3A_344 : i32 to vector<16xi32>
      %add3A_346 = arith.addi %iota3A, %add3A_345 : vector<16xi32>
      tpu.vector_store_idx %arg14[%add3A_346, %broadcast_in_dim3A_3], %get3A_343 : memref<512x1xf32, #tpu.memory_space<vmem>>[vector<16xi32>, vector<16xi32>], vector<16xf32>,
      %get3A_347 = arith.index_cast %rem3A_118 : i32 to index
      %get3A_348 = arith.constant 96 : index
      %get3A_349 = tpu.vector_load %arg13[%get3A_347, %get3A_348] {strides = array<i32>} : memref<2x1024xf32, #tpu.memory_space<vmem>>, vector<16xf32>,
      %add3A_350 = arith.constant 96 : i32
      %add3A_351 = vector.broadcast %add3A_350 : i32 to vector<16xi32>
      %add3A_352 = arith.addi %iota3A, %add3A_351 : vector<16xi32>
      tpu.vector_store_idx %arg14[%add3A_352, %broadcast_in_dim3A_3], %get3A_349 : memref<512x1xf32, #tpu.memory_space<vmem>>[vector<16xi32>, vector<16xi32>], vector<16xf32>,
      %get3A_353 = arith.index_cast %rem3A_118 : i32 to index
      %get3A_354 = arith.constant 112 : index
      %get3A_355 = tpu.vector_load %arg13[%get3A_353, %get3A_354] {strides = array<i32>} : memref<2x1024xf32, #tpu.memory_space<vmem>>, vector<16xf32>,
      %add3A_356 = arith.constant 112 : i32
      %add3A_357 = vector.broadcast %add3A_356 : i32 to vector<16xi32>
      %add3A_358 = arith.addi %iota3A, %add3A_357 : vector<16xi32>
      tpu.vector_store_idx %arg14[%add3A_358, %broadcast_in_dim3A_3], %get3A_355 : memref<512x1xf32, #tpu.memory_space<vmem>>[vector<16xi32>, vector<16xi32>], vector<16xf32>,
      %get3A_359 = arith.index_cast %rem3A_118 : i32 to index
      %get3A_360 = arith.constant 128 : index
      %get3A_361 = tpu.vector_load %arg13[%get3A_359, %get3A_360] {strides = array<i32>} : memref<2x1024xf32, #tpu.memory_space<vmem>>, vector<16xf32>,
      %add3A_362 = arith.constant 128 : i32
      %add3A_363 = vector.broadcast %add3A_362 : i32 to vector<16xi32>
      %add3A_364 = arith.addi %iota3A, %add3A_363 : vector<16xi32>
      tpu.vector_store_idx %arg14[%add3A_364, %broadcast_in_dim3A_3], %get3A_361 : memref<512x1xf32, #tpu.memory_space<vmem>>[vector<16xi32>, vector<16xi32>], vector<16xf32>,
      %get3A_365 = arith.index_cast %rem3A_118 : i32 to index
      %get3A_366 = arith.constant 144 : index
      %get3A_367 = tpu.vector_load %arg13[%get3A_365, %get3A_366] {strides = array<i32>} : memref<2x1024xf32, #tpu.memory_space<vmem>>, vector<16xf32>,
      %add3A_368 = arith.constant 144 : i32
      %add3A_369 = vector.broadcast %add3A_368 : i32 to vector<16xi32>
      %add3A_370 = arith.addi %iota3A, %add3A_369 : vector<16xi32>
      tpu.vector_store_idx %arg14[%add3A_370, %broadcast_in_dim3A_3], %get3A_367 : memref<512x1xf32, #tpu.memory_space<vmem>>[vector<16xi32>, vector<16xi32>], vector<16xf32>,
      %get3A_371 = arith.index_cast %rem3A_118 : i32 to index
      %get3A_372 = arith.constant 160 : index
      %get3A_373 = tpu.vector_load %arg13[%get3A_371, %get3A_372] {strides = array<i32>} : memref<2x1024xf32, #tpu.memory_space<vmem>>, vector<16xf32>,
      %add3A_374 = arith.constant 160 : i32
      %add3A_375 = vector.broadcast %add3A_374 : i32 to vector<16xi32>
      %add3A_376 = arith.addi %iota3A, %add3A_375 : vector<16xi32>
      tpu.vector_store_idx %arg14[%add3A_376, %broadcast_in_dim3A_3], %get3A_373 : memref<512x1xf32, #tpu.memory_space<vmem>>[vector<16xi32>, vector<16xi32>], vector<16xf32>,
      %get3A_377 = arith.index_cast %rem3A_118 : i32 to index
      %get3A_378 = arith.constant 176 : index
      %get3A_379 = tpu.vector_load %arg13[%get3A_377, %get3A_378] {strides = array<i32>} : memref<2x1024xf32, #tpu.memory_space<vmem>>, vector<16xf32>,
      %add3A_380 = arith.constant 176 : i32
      %add3A_381 = vector.broadcast %add3A_380 : i32 to vector<16xi32>
      %add3A_382 = arith.addi %iota3A, %add3A_381 : vector<16xi32>
      tpu.vector_store_idx %arg14[%add3A_382, %broadcast_in_dim3A_3], %get3A_379 : memref<512x1xf32, #tpu.memory_space<vmem>>[vector<16xi32>, vector<16xi32>], vector<16xf32>,
      %get3A_383 = arith.index_cast %rem3A_118 : i32 to index
      %get3A_384 = arith.constant 192 : index
      %get3A_385 = tpu.vector_load %arg13[%get3A_383, %get3A_384] {strides = array<i32>} : memref<2x1024xf32, #tpu.memory_space<vmem>>, vector<16xf32>,
      %add3A_386 = arith.constant 192 : i32
      %add3A_387 = vector.broadcast %add3A_386 : i32 to vector<16xi32>
      %add3A_388 = arith.addi %iota3A, %add3A_387 : vector<16xi32>
      tpu.vector_store_idx %arg14[%add3A_388, %broadcast_in_dim3A_3], %get3A_385 : memref<512x1xf32, #tpu.memory_space<vmem>>[vector<16xi32>, vector<16xi32>], vector<16xf32>,
      %get3A_389 = arith.index_cast %rem3A_118 : i32 to index
      %get3A_390 = arith.constant 208 : index
      %get3A_391 = tpu.vector_load %arg13[%get3A_389, %get3A_390] {strides = array<i32>} : memref<2x1024xf32, #tpu.memory_space<vmem>>, vector<16xf32>,
      %add3A_392 = arith.constant 208 : i32
      %add3A_393 = vector.broadcast %add3A_392 : i32 to vector<16xi32>
      %add3A_394 = arith.addi %iota3A, %add3A_393 : vector<16xi32>
      tpu.vector_store_idx %arg14[%add3A_394, %broadcast_in_dim3A_3], %get3A_391 : memref<512x1xf32, #tpu.memory_space<vmem>>[vector<16xi32>, vector<16xi32>], vector<16xf32>,
      %get3A_395 = arith.index_cast %rem3A_118 : i32 to index
      %get3A_396 = arith.constant 224 : index
      %get3A_397 = tpu.vector_load %arg13[%get3A_395, %get3A_396] {strides = array<i32>} : memref<2x1024xf32, #tpu.memory_space<vmem>>, vector<16xf32>,
      %add3A_398 = arith.constant 224 : i32
      %add3A_399 = vector.broadcast %add3A_398 : i32 to vector<16xi32>
      %add3A_400 = arith.addi %iota3A, %add3A_399 : vector<16xi32>
      tpu.vector_store_idx %arg14[%add3A_400, %broadcast_in_dim3A_3], %get3A_397 : memref<512x1xf32, #tpu.memory_space<vmem>>[vector<16xi32>, vector<16xi32>], vector<16xf32>,
      %get3A_401 = arith.index_cast %rem3A_118 : i32 to index
      %get3A_402 = arith.constant 240 : index
      %get3A_403 = tpu.vector_load %arg13[%get3A_401, %get3A_402] {strides = array<i32>} : memref<2x1024xf32, #tpu.memory_space<vmem>>, vector<16xf32>,
      %add3A_404 = arith.constant 240 : i32
      %add3A_405 = vector.broadcast %add3A_404 : i32 to vector<16xi32>
      %add3A_406 = arith.addi %iota3A, %add3A_405 : vector<16xi32>
      tpu.vector_store_idx %arg14[%add3A_406, %broadcast_in_dim3A_3], %get3A_403 : memref<512x1xf32, #tpu.memory_space<vmem>>[vector<16xi32>, vector<16xi32>], vector<16xf32>,
      %get3A_407 = arith.index_cast %rem3A_118 : i32 to index
      %get3A_408 = arith.constant 256 : index
      %get3A_409 = tpu.vector_load %arg13[%get3A_407, %get3A_408] {strides = array<i32>} : memref<2x1024xf32, #tpu.memory_space<vmem>>, vector<16xf32>,
      %add3A_410 = arith.constant 256 : i32
      %add3A_411 = vector.broadcast %add3A_410 : i32 to vector<16xi32>
      %add3A_412 = arith.addi %iota3A, %add3A_411 : vector<16xi32>
      tpu.vector_store_idx %arg14[%add3A_412, %broadcast_in_dim3A_3], %get3A_409 : memref<512x1xf32, #tpu.memory_space<vmem>>[vector<16xi32>, vector<16xi32>], vector<16xf32>,
      %get3A_413 = arith.index_cast %rem3A_118 : i32 to index
      %get3A_414 = arith.constant 272 : index
      %get3A_415 = tpu.vector_load %arg13[%get3A_413, %get3A_414] {strides = array<i32>} : memref<2x1024xf32, #tpu.memory_space<vmem>>, vector<16xf32>,
      %add3A_416 = arith.constant 272 : i32
      %add3A_417 = vector.broadcast %add3A_416 : i32 to vector<16xi32>
      %add3A_418 = arith.addi %iota3A, %add3A_417 : vector<16xi32>
      tpu.vector_store_idx %arg14[%add3A_418, %broadcast_in_dim3A_3], %get3A_415 : memref<512x1xf32, #tpu.memory_space<vmem>>[vector<16xi32>, vector<16xi32>], vector<16xf32>,
      %get3A_419 = arith.index_cast %rem3A_118 : i32 to index
      %get3A_420 = arith.constant 288 : index
      %get3A_421 = tpu.vector_load %arg13[%get3A_419, %get3A_420] {strides = array<i32>} : memref<2x1024xf32, #tpu.memory_space<vmem>>, vector<16xf32>,
      %add3A_422 = arith.constant 288 : i32
      %add3A_423 = vector.broadcast %add3A_422 : i32 to vector<16xi32>
      %add3A_424 = arith.addi %iota3A, %add3A_423 : vector<16xi32>
      tpu.vector_store_idx %arg14[%add3A_424, %broadcast_in_dim3A_3], %get3A_421 : memref<512x1xf32, #tpu.memory_space<vmem>>[vector<16xi32>, vector<16xi32>], vector<16xf32>,
      %get3A_425 = arith.index_cast %rem3A_118 : i32 to index
      %get3A_426 = arith.constant 304 : index
      %get3A_427 = tpu.vector_load %arg13[%get3A_425, %get3A_426] {strides = array<i32>} : memref<2x1024xf32, #tpu.memory_space<vmem>>, vector<16xf32>,
      %add3A_428 = arith.constant 304 : i32
      %add3A_429 = vector.broadcast %add3A_428 : i32 to vector<16xi32>
      %add3A_430 = arith.addi %iota3A, %add3A_429 : vector<16xi32>
      tpu.vector_store_idx %arg14[%add3A_430, %broadcast_in_dim3A_3], %get3A_427 : memref<512x1xf32, #tpu.memory_space<vmem>>[vector<16xi32>, vector<16xi32>], vector<16xf32>,
      %get3A_431 = arith.index_cast %rem3A_118 : i32 to index
      %get3A_432 = arith.constant 320 : index
      %get3A_433 = tpu.vector_load %arg13[%get3A_431, %get3A_432] {strides = array<i32>} : memref<2x1024xf32, #tpu.memory_space<vmem>>, vector<16xf32>,
      %add3A_434 = arith.constant 320 : i32
      %add3A_435 = vector.broadcast %add3A_434 : i32 to vector<16xi32>
      %add3A_436 = arith.addi %iota3A, %add3A_435 : vector<16xi32>
      tpu.vector_store_idx %arg14[%add3A_436, %broadcast_in_dim3A_3], %get3A_433 : memref<512x1xf32, #tpu.memory_space<vmem>>[vector<16xi32>, vector<16xi32>], vector<16xf32>,
      %get3A_437 = arith.index_cast %rem3A_118 : i32 to index
      %get3A_438 = arith.constant 336 : index
      %get3A_439 = tpu.vector_load %arg13[%get3A_437, %get3A_438] {strides = array<i32>} : memref<2x1024xf32, #tpu.memory_space<vmem>>, vector<16xf32>,
      %add3A_440 = arith.constant 336 : i32
      %add3A_441 = vector.broadcast %add3A_440 : i32 to vector<16xi32>
      %add3A_442 = arith.addi %iota3A, %add3A_441 : vector<16xi32>
      tpu.vector_store_idx %arg14[%add3A_442, %broadcast_in_dim3A_3], %get3A_439 : memref<512x1xf32, #tpu.memory_space<vmem>>[vector<16xi32>, vector<16xi32>], vector<16xf32>,
      %get3A_443 = arith.index_cast %rem3A_118 : i32 to index
      %get3A_444 = arith.constant 352 : index
      %get3A_445 = tpu.vector_load %arg13[%get3A_443, %get3A_444] {strides = array<i32>} : memref<2x1024xf32, #tpu.memory_space<vmem>>, vector<16xf32>,
      %add3A_446 = arith.constant 352 : i32
      %add3A_447 = vector.broadcast %add3A_446 : i32 to vector<16xi32>
      %add3A_448 = arith.addi %iota3A, %add3A_447 : vector<16xi32>
      tpu.vector_store_idx %arg14[%add3A_448, %broadcast_in_dim3A_3], %get3A_445 : memref<512x1xf32, #tpu.memory_space<vmem>>[vector<16xi32>, vector<16xi32>], vector<16xf32>,
      %get3A_449 = arith.index_cast %rem3A_118 : i32 to index
      %get3A_450 = arith.constant 368 : index
      %get3A_451 = tpu.vector_load %arg13[%get3A_449, %get3A_450] {strides = array<i32>} : memref<2x1024xf32, #tpu.memory_space<vmem>>, vector<16xf32>,
      %add3A_452 = arith.constant 368 : i32
      %add3A_453 = vector.broadcast %add3A_452 : i32 to vector<16xi32>
      %add3A_454 = arith.addi %iota3A, %add3A_453 : vector<16xi32>
      tpu.vector_store_idx %arg14[%add3A_454, %broadcast_in_dim3A_3], %get3A_451 : memref<512x1xf32, #tpu.memory_space<vmem>>[vector<16xi32>, vector<16xi32>], vector<16xf32>,
      %get3A_455 = arith.index_cast %rem3A_118 : i32 to index
      %get3A_456 = arith.constant 384 : index
      %get3A_457 = tpu.vector_load %arg13[%get3A_455, %get3A_456] {strides = array<i32>} : memref<2x1024xf32, #tpu.memory_space<vmem>>, vector<16xf32>,
      %add3A_458 = arith.constant 384 : i32
      %add3A_459 = vector.broadcast %add3A_458 : i32 to vector<16xi32>
      %add3A_460 = arith.addi %iota3A, %add3A_459 : vector<16xi32>
      tpu.vector_store_idx %arg14[%add3A_460, %broadcast_in_dim3A_3], %get3A_457 : memref<512x1xf32, #tpu.memory_space<vmem>>[vector<16xi32>, vector<16xi32>], vector<16xf32>,
      %get3A_461 = arith.index_cast %rem3A_118 : i32 to index
      %get3A_462 = arith.constant 400 : index
      %get3A_463 = tpu.vector_load %arg13[%get3A_461, %get3A_462] {strides = array<i32>} : memref<2x1024xf32, #tpu.memory_space<vmem>>, vector<16xf32>,
      %add3A_464 = arith.constant 400 : i32
      %add3A_465 = vector.broadcast %add3A_464 : i32 to vector<16xi32>
      %add3A_466 = arith.addi %iota3A, %add3A_465 : vector<16xi32>
      tpu.vector_store_idx %arg14[%add3A_466, %broadcast_in_dim3A_3], %get3A_463 : memref<512x1xf32, #tpu.memory_space<vmem>>[vector<16xi32>, vector<16xi32>], vector<16xf32>,
      %get3A_467 = arith.index_cast %rem3A_118 : i32 to index
      %get3A_468 = arith.constant 416 : index
      %get3A_469 = tpu.vector_load %arg13[%get3A_467, %get3A_468] {strides = array<i32>} : memref<2x1024xf32, #tpu.memory_space<vmem>>, vector<16xf32>,
      %add3A_470 = arith.constant 416 : i32
      %add3A_471 = vector.broadcast %add3A_470 : i32 to vector<16xi32>
      %add3A_472 = arith.addi %iota3A, %add3A_471 : vector<16xi32>
      tpu.vector_store_idx %arg14[%add3A_472, %broadcast_in_dim3A_3], %get3A_469 : memref<512x1xf32, #tpu.memory_space<vmem>>[vector<16xi32>, vector<16xi32>], vector<16xf32>,
      %get3A_473 = arith.index_cast %rem3A_118 : i32 to index
      %get3A_474 = arith.constant 432 : index
      %get3A_475 = tpu.vector_load %arg13[%get3A_473, %get3A_474] {strides = array<i32>} : memref<2x1024xf32, #tpu.memory_space<vmem>>, vector<16xf32>,
      %add3A_476 = arith.constant 432 : i32
      %add3A_477 = vector.broadcast %add3A_476 : i32 to vector<16xi32>
      %add3A_478 = arith.addi %iota3A, %add3A_477 : vector<16xi32>
      tpu.vector_store_idx %arg14[%add3A_478, %broadcast_in_dim3A_3], %get3A_475 : memref<512x1xf32, #tpu.memory_space<vmem>>[vector<16xi32>, vector<16xi32>], vector<16xf32>,
      %get3A_479 = arith.index_cast %rem3A_118 : i32 to index
      %get3A_480 = arith.constant 448 : index
      %get3A_481 = tpu.vector_load %arg13[%get3A_479, %get3A_480] {strides = array<i32>} : memref<2x1024xf32, #tpu.memory_space<vmem>>, vector<16xf32>,
      %add3A_482 = arith.constant 448 : i32
      %add3A_483 = vector.broadcast %add3A_482 : i32 to vector<16xi32>
      %add3A_484 = arith.addi %iota3A, %add3A_483 : vector<16xi32>
      tpu.vector_store_idx %arg14[%add3A_484, %broadcast_in_dim3A_3], %get3A_481 : memref<512x1xf32, #tpu.memory_space<vmem>>[vector<16xi32>, vector<16xi32>], vector<16xf32>,
      %get3A_485 = arith.index_cast %rem3A_118 : i32 to index
      %get3A_486 = arith.constant 464 : index
      %get3A_487 = tpu.vector_load %arg13[%get3A_485, %get3A_486] {strides = array<i32>} : memref<2x1024xf32, #tpu.memory_space<vmem>>, vector<16xf32>,
      %add3A_488 = arith.constant 464 : i32
      %add3A_489 = vector.broadcast %add3A_488 : i32 to vector<16xi32>
      %add3A_490 = arith.addi %iota3A, %add3A_489 : vector<16xi32>
      tpu.vector_store_idx %arg14[%add3A_490, %broadcast_in_dim3A_3], %get3A_487 : memref<512x1xf32, #tpu.memory_space<vmem>>[vector<16xi32>, vector<16xi32>], vector<16xf32>,
      %get3A_491 = arith.index_cast %rem3A_118 : i32 to index
      %get3A_492 = arith.constant 480 : index
      %get3A_493 = tpu.vector_load %arg13[%get3A_491, %get3A_492] {strides = array<i32>} : memref<2x1024xf32, #tpu.memory_space<vmem>>, vector<16xf32>,
      %add3A_494 = arith.constant 480 : i32
      %add3A_495 = vector.broadcast %add3A_494 : i32 to vector<16xi32>
      %add3A_496 = arith.addi %iota3A, %add3A_495 : vector<16xi32>
      tpu.vector_store_idx %arg14[%add3A_496, %broadcast_in_dim3A_3], %get3A_493 : memref<512x1xf32, #tpu.memory_space<vmem>>[vector<16xi32>, vector<16xi32>], vector<16xf32>,
      %get3A_497 = arith.index_cast %rem3A_118 : i32 to index
      %get3A_498 = arith.constant 496 : index
      %get3A_499 = tpu.vector_load %arg13[%get3A_497, %get3A_498] {strides = array<i32>} : memref<2x1024xf32, #tpu.memory_space<vmem>>, vector<16xf32>,
      %add3A_500 = arith.constant 496 : i32
      %add3A_501 = vector.broadcast %add3A_500 : i32 to vector<16xi32>
      %add3A_502 = arith.addi %iota3A, %add3A_501 : vector<16xi32>
      tpu.vector_store_idx %arg14[%add3A_502, %broadcast_in_dim3A_3], %get3A_499 : memref<512x1xf32, #tpu.memory_space<vmem>>[vector<16xi32>, vector<16xi32>], vector<16xf32>,
      %gt3A_503 = arith.constant 0 : i32
      %gt3A_504 = arith.cmpi sgt, %add3A_116, %gt3A_503 : i32
      %convert_element_type3A_505 = arith.extui %gt3A_504 : i1 to i32
      %cond3A_506 = arith.constant 0 : i32
      %cond3A_507 = arith.cmpi ne, %convert_element_type3A_505, %cond3A_506 : i32
      scf.if %cond3A_507 {
        %sub3A_1106 = arith.constant 1 : i32
        %sub3A_1107 = arith.subi %add3A_116, %sub3A_1106 : i32
        %mul3A_1108 = arith.constant 1024 : i32
        %mul3A_1109 = arith.muli %sub3A_1107, %mul3A_1108 : i32
        %add3A_1110 = arith.addi %mul3A_2, %mul3A_1109 : i32
        %add3A_1111 = arith.constant 512 : i32
        %add3A_1112 = arith.addi %add3A_1110, %add3A_1111 : i32
        %dma_wait3A_1113 = arith.constant 0 : i32
        %dma_wait3A_1114 = tpu.memref_slice %arg9[%add3A_1112, %dma_wait3A_1113] : memref<819200x97xf32, #tpu.memory_space<hbm>> -> memref<512x32xf32, #tpu.memory_space<hbm>>
        %dma_wait3A_1115 = arith.constant 0 : i32
        %dma_wait3A_1116 = tpu.memref_slice %arg9[%add3A_1112, %dma_wait3A_1115] : memref<819200x97xf32, #tpu.memory_space<hbm>> -> memref<512x32xf32, #tpu.memory_space<hbm>>
        tpu.wait_dma2 semaphore(%arg24 : memref<!tpu.dma_semaphore, #tpu.memory_space<semaphore_mem>>) src(%arg19 : memref<512x32xf32, #tpu.memory_space<vmem>>) dst(%dma_wait3A_1116 : memref<512x32xf32, #tpu.memory_space<hbm>>)
        %dma_wait3A_1117 = arith.constant 32 : i32
        %dma_wait3A_1118 = tpu.memref_slice %arg9[%add3A_1112, %dma_wait3A_1117] : memref<819200x97xf32, #tpu.memory_space<hbm>> -> memref<512x32xf32, #tpu.memory_space<hbm>>
        %dma_wait3A_1119 = arith.constant 32 : i32
        %dma_wait3A_1120 = tpu.memref_slice %arg9[%add3A_1112, %dma_wait3A_1119] : memref<819200x97xf32, #tpu.memory_space<hbm>> -> memref<512x32xf32, #tpu.memory_space<hbm>>
        tpu.wait_dma2 semaphore(%arg24 : memref<!tpu.dma_semaphore, #tpu.memory_space<semaphore_mem>>) src(%arg20 : memref<512x32xf32, #tpu.memory_space<vmem>>) dst(%dma_wait3A_1120 : memref<512x32xf32, #tpu.memory_space<hbm>>)
        %dma_wait3A_1121 = arith.constant 64 : i32
        %dma_wait3A_1122 = tpu.memref_slice %arg9[%add3A_1112, %dma_wait3A_1121] : memref<819200x97xf32, #tpu.memory_space<hbm>> -> memref<512x32xf32, #tpu.memory_space<hbm>>
        %dma_wait3A_1123 = arith.constant 64 : i32
        %dma_wait3A_1124 = tpu.memref_slice %arg9[%add3A_1112, %dma_wait3A_1123] : memref<819200x97xf32, #tpu.memory_space<hbm>> -> memref<512x32xf32, #tpu.memory_space<hbm>>
        tpu.wait_dma2 semaphore(%arg24 : memref<!tpu.dma_semaphore, #tpu.memory_space<semaphore_mem>>) src(%arg21 : memref<512x32xf32, #tpu.memory_space<vmem>>) dst(%dma_wait3A_1124 : memref<512x32xf32, #tpu.memory_space<hbm>>)
        %dma_wait3A_1125 = arith.constant 96 : i32
        %dma_wait3A_1126 = tpu.memref_slice %arg9[%add3A_1112, %dma_wait3A_1125] : memref<819200x97xf32, #tpu.memory_space<hbm>> -> memref<512x1xf32, #tpu.memory_space<hbm>>
        %dma_wait3A_1127 = arith.constant 96 : i32
        %dma_wait3A_1128 = tpu.memref_slice %arg9[%add3A_1112, %dma_wait3A_1127] : memref<819200x97xf32, #tpu.memory_space<hbm>> -> memref<512x1xf32, #tpu.memory_space<hbm>>
        tpu.wait_dma2 semaphore(%arg24 : memref<!tpu.dma_semaphore, #tpu.memory_space<semaphore_mem>>) src(%arg15 : memref<512x1xf32, #tpu.memory_space<vmem>>) dst(%dma_wait3A_1128 : memref<512x1xf32, #tpu.memory_space<hbm>>)
      } else {
      }
      %dma_start3A_508 = arith.constant 4 : i32
      %dma_start3A_509 = arith.constant 0 : i32
      %dma_start3A_510 = arith.constant 0 : i32
      %dma_start3A_511 = tpu.memref_slice %arg19[%dma_start3A_509, %dma_start3A_510] : memref<512x32xf32, #tpu.memory_space<vmem>> -> memref<128x32xf32, #tpu.memory_space<vmem>>
      %dma_start3A_512 = arith.constant 0 : i32
      %dma_start3A_513 = tpu.memref_slice %arg10[%rem3A_118, %dma_start3A_508, %dma_start3A_512] : memref<2x8x128xi32, #tpu.memory_space<vmem>> -> memref<1x1x128xi32, #tpu.memory_space<vmem>>
      %dma_start3A_514 = tpu.memref_squeeze %dma_start3A_513 : memref<1x1x128xi32, #tpu.memory_space<vmem>> -> memref<128xi32, #tpu.memory_space<vmem>>
      %dma_start3A_515 = arith.constant 0 : i32
      %dma_start3A_516 = arith.constant 0 : i32
      %dma_start3A_517 = tpu.memref_slice %arg2[%dma_start3A_515, %dma_start3A_516] : memref<1000000x32xf32, #tpu.memory_space<hbm>> -> memref<1000000x32xf32, #tpu.memory_space<hbm>>
      tpu.enqueue_indirect_dma source(%dma_start3A_517 : memref<1000000x32xf32, #tpu.memory_space<hbm>>) target(%dma_start3A_511 : memref<128x32xf32, #tpu.memory_space<vmem>>) offsets(%dma_start3A_514 : memref<128xi32, #tpu.memory_space<vmem>>) semaphore(%arg23 : memref<!tpu.dma_semaphore, #tpu.memory_space<semaphore_mem>>)
      %dma_start3A_518 = arith.constant 4 : i32
      %dma_start3A_519 = arith.constant 0 : i32
      %dma_start3A_520 = arith.constant 0 : i32
      %dma_start3A_521 = tpu.memref_slice %arg20[%dma_start3A_519, %dma_start3A_520] : memref<512x32xf32, #tpu.memory_space<vmem>> -> memref<128x32xf32, #tpu.memory_space<vmem>>
      %dma_start3A_522 = arith.constant 0 : i32
      %dma_start3A_523 = tpu.memref_slice %arg11[%rem3A_118, %dma_start3A_518, %dma_start3A_522] : memref<2x8x128xi32, #tpu.memory_space<vmem>> -> memref<1x1x128xi32, #tpu.memory_space<vmem>>
      %dma_start3A_524 = tpu.memref_squeeze %dma_start3A_523 : memref<1x1x128xi32, #tpu.memory_space<vmem>> -> memref<128xi32, #tpu.memory_space<vmem>>
      %dma_start3A_525 = arith.constant 0 : i32
      %dma_start3A_526 = arith.constant 0 : i32
      %dma_start3A_527 = tpu.memref_slice %arg3[%dma_start3A_525, %dma_start3A_526] : memref<100000x32xf32, #tpu.memory_space<hbm>> -> memref<100000x32xf32, #tpu.memory_space<hbm>>
      tpu.enqueue_indirect_dma source(%dma_start3A_527 : memref<100000x32xf32, #tpu.memory_space<hbm>>) target(%dma_start3A_521 : memref<128x32xf32, #tpu.memory_space<vmem>>) offsets(%dma_start3A_524 : memref<128xi32, #tpu.memory_space<vmem>>) semaphore(%arg23 : memref<!tpu.dma_semaphore, #tpu.memory_space<semaphore_mem>>)
      %dma_start3A_528 = arith.constant 4 : i32
      %dma_start3A_529 = arith.constant 0 : i32
      %dma_start3A_530 = arith.constant 0 : i32
      %dma_start3A_531 = tpu.memref_slice %arg21[%dma_start3A_529, %dma_start3A_530] : memref<512x32xf32, #tpu.memory_space<vmem>> -> memref<128x32xf32, #tpu.memory_space<vmem>>
      %dma_start3A_532 = arith.constant 0 : i32
      %dma_start3A_533 = tpu.memref_slice %arg12[%rem3A_118, %dma_start3A_528, %dma_start3A_532] : memref<2x8x128xi32, #tpu.memory_space<vmem>> -> memref<1x1x128xi32, #tpu.memory_space<vmem>>
      %dma_start3A_534 = tpu.memref_squeeze %dma_start3A_533 : memref<1x1x128xi32, #tpu.memory_space<vmem>> -> memref<128xi32, #tpu.memory_space<vmem>>
      %dma_start3A_535 = arith.constant 0 : i32
      %dma_start3A_536 = arith.constant 0 : i32
      %dma_start3A_537 = tpu.memref_slice %arg4[%dma_start3A_535, %dma_start3A_536] : memref<1000x32xf32, #tpu.memory_space<hbm>> -> memref<1000x32xf32, #tpu.memory_space<hbm>>
      tpu.enqueue_indirect_dma source(%dma_start3A_537 : memref<1000x32xf32, #tpu.memory_space<hbm>>) target(%dma_start3A_531 : memref<128x32xf32, #tpu.memory_space<vmem>>) offsets(%dma_start3A_534 : memref<128xi32, #tpu.memory_space<vmem>>) semaphore(%arg23 : memref<!tpu.dma_semaphore, #tpu.memory_space<semaphore_mem>>)
      %dma_start3A_538 = arith.constant 5 : i32
      %dma_start3A_539 = arith.constant 128 : i32
      %dma_start3A_540 = arith.constant 0 : i32
      %dma_start3A_541 = tpu.memref_slice %arg19[%dma_start3A_539, %dma_start3A_540] : memref<512x32xf32, #tpu.memory_space<vmem>> -> memref<128x32xf32, #tpu.memory_space<vmem>>
      %dma_start3A_542 = arith.constant 0 : i32
      %dma_start3A_543 = tpu.memref_slice %arg10[%rem3A_118, %dma_start3A_538, %dma_start3A_542] : memref<2x8x128xi32, #tpu.memory_space<vmem>> -> memref<1x1x128xi32, #tpu.memory_space<vmem>>
      %dma_start3A_544 = tpu.memref_squeeze %dma_start3A_543 : memref<1x1x128xi32, #tpu.memory_space<vmem>> -> memref<128xi32, #tpu.memory_space<vmem>>
      %dma_start3A_545 = arith.constant 0 : i32
      %dma_start3A_546 = arith.constant 0 : i32
      %dma_start3A_547 = tpu.memref_slice %arg2[%dma_start3A_545, %dma_start3A_546] : memref<1000000x32xf32, #tpu.memory_space<hbm>> -> memref<1000000x32xf32, #tpu.memory_space<hbm>>
      tpu.enqueue_indirect_dma source(%dma_start3A_547 : memref<1000000x32xf32, #tpu.memory_space<hbm>>) target(%dma_start3A_541 : memref<128x32xf32, #tpu.memory_space<vmem>>) offsets(%dma_start3A_544 : memref<128xi32, #tpu.memory_space<vmem>>) semaphore(%arg23 : memref<!tpu.dma_semaphore, #tpu.memory_space<semaphore_mem>>)
      %dma_start3A_548 = arith.constant 5 : i32
      %dma_start3A_549 = arith.constant 128 : i32
      %dma_start3A_550 = arith.constant 0 : i32
      %dma_start3A_551 = tpu.memref_slice %arg20[%dma_start3A_549, %dma_start3A_550] : memref<512x32xf32, #tpu.memory_space<vmem>> -> memref<128x32xf32, #tpu.memory_space<vmem>>
      %dma_start3A_552 = arith.constant 0 : i32
      %dma_start3A_553 = tpu.memref_slice %arg11[%rem3A_118, %dma_start3A_548, %dma_start3A_552] : memref<2x8x128xi32, #tpu.memory_space<vmem>> -> memref<1x1x128xi32, #tpu.memory_space<vmem>>
      %dma_start3A_554 = tpu.memref_squeeze %dma_start3A_553 : memref<1x1x128xi32, #tpu.memory_space<vmem>> -> memref<128xi32, #tpu.memory_space<vmem>>
      %dma_start3A_555 = arith.constant 0 : i32
      %dma_start3A_556 = arith.constant 0 : i32
      %dma_start3A_557 = tpu.memref_slice %arg3[%dma_start3A_555, %dma_start3A_556] : memref<100000x32xf32, #tpu.memory_space<hbm>> -> memref<100000x32xf32, #tpu.memory_space<hbm>>
      tpu.enqueue_indirect_dma source(%dma_start3A_557 : memref<100000x32xf32, #tpu.memory_space<hbm>>) target(%dma_start3A_551 : memref<128x32xf32, #tpu.memory_space<vmem>>) offsets(%dma_start3A_554 : memref<128xi32, #tpu.memory_space<vmem>>) semaphore(%arg23 : memref<!tpu.dma_semaphore, #tpu.memory_space<semaphore_mem>>)
      %dma_start3A_558 = arith.constant 5 : i32
      %dma_start3A_559 = arith.constant 128 : i32
      %dma_start3A_560 = arith.constant 0 : i32
      %dma_start3A_561 = tpu.memref_slice %arg21[%dma_start3A_559, %dma_start3A_560] : memref<512x32xf32, #tpu.memory_space<vmem>> -> memref<128x32xf32, #tpu.memory_space<vmem>>
      %dma_start3A_562 = arith.constant 0 : i32
      %dma_start3A_563 = tpu.memref_slice %arg12[%rem3A_118, %dma_start3A_558, %dma_start3A_562] : memref<2x8x128xi32, #tpu.memory_space<vmem>> -> memref<1x1x128xi32, #tpu.memory_space<vmem>>
      %dma_start3A_564 = tpu.memref_squeeze %dma_start3A_563 : memref<1x1x128xi32, #tpu.memory_space<vmem>> -> memref<128xi32, #tpu.memory_space<vmem>>
      %dma_start3A_565 = arith.constant 0 : i32
      %dma_start3A_566 = arith.constant 0 : i32
      %dma_start3A_567 = tpu.memref_slice %arg4[%dma_start3A_565, %dma_start3A_566] : memref<1000x32xf32, #tpu.memory_space<hbm>> -> memref<1000x32xf32, #tpu.memory_space<hbm>>
      tpu.enqueue_indirect_dma source(%dma_start3A_567 : memref<1000x32xf32, #tpu.memory_space<hbm>>) target(%dma_start3A_561 : memref<128x32xf32, #tpu.memory_space<vmem>>) offsets(%dma_start3A_564 : memref<128xi32, #tpu.memory_space<vmem>>) semaphore(%arg23 : memref<!tpu.dma_semaphore, #tpu.memory_space<semaphore_mem>>)
      %dma_start3A_568 = arith.constant 6 : i32
      %dma_start3A_569 = arith.constant 256 : i32
      %dma_start3A_570 = arith.constant 0 : i32
      %dma_start3A_571 = tpu.memref_slice %arg19[%dma_start3A_569, %dma_start3A_570] : memref<512x32xf32, #tpu.memory_space<vmem>> -> memref<128x32xf32, #tpu.memory_space<vmem>>
      %dma_start3A_572 = arith.constant 0 : i32
      %dma_start3A_573 = tpu.memref_slice %arg10[%rem3A_118, %dma_start3A_568, %dma_start3A_572] : memref<2x8x128xi32, #tpu.memory_space<vmem>> -> memref<1x1x128xi32, #tpu.memory_space<vmem>>
      %dma_start3A_574 = tpu.memref_squeeze %dma_start3A_573 : memref<1x1x128xi32, #tpu.memory_space<vmem>> -> memref<128xi32, #tpu.memory_space<vmem>>
      %dma_start3A_575 = arith.constant 0 : i32
      %dma_start3A_576 = arith.constant 0 : i32
      %dma_start3A_577 = tpu.memref_slice %arg2[%dma_start3A_575, %dma_start3A_576] : memref<1000000x32xf32, #tpu.memory_space<hbm>> -> memref<1000000x32xf32, #tpu.memory_space<hbm>>
      tpu.enqueue_indirect_dma source(%dma_start3A_577 : memref<1000000x32xf32, #tpu.memory_space<hbm>>) target(%dma_start3A_571 : memref<128x32xf32, #tpu.memory_space<vmem>>) offsets(%dma_start3A_574 : memref<128xi32, #tpu.memory_space<vmem>>) semaphore(%arg23 : memref<!tpu.dma_semaphore, #tpu.memory_space<semaphore_mem>>)
      %dma_start3A_578 = arith.constant 6 : i32
      %dma_start3A_579 = arith.constant 256 : i32
      %dma_start3A_580 = arith.constant 0 : i32
      %dma_start3A_581 = tpu.memref_slice %arg20[%dma_start3A_579, %dma_start3A_580] : memref<512x32xf32, #tpu.memory_space<vmem>> -> memref<128x32xf32, #tpu.memory_space<vmem>>
      %dma_start3A_582 = arith.constant 0 : i32
      %dma_start3A_583 = tpu.memref_slice %arg11[%rem3A_118, %dma_start3A_578, %dma_start3A_582] : memref<2x8x128xi32, #tpu.memory_space<vmem>> -> memref<1x1x128xi32, #tpu.memory_space<vmem>>
      %dma_start3A_584 = tpu.memref_squeeze %dma_start3A_583 : memref<1x1x128xi32, #tpu.memory_space<vmem>> -> memref<128xi32, #tpu.memory_space<vmem>>
      %dma_start3A_585 = arith.constant 0 : i32
      %dma_start3A_586 = arith.constant 0 : i32
      %dma_start3A_587 = tpu.memref_slice %arg3[%dma_start3A_585, %dma_start3A_586] : memref<100000x32xf32, #tpu.memory_space<hbm>> -> memref<100000x32xf32, #tpu.memory_space<hbm>>
      tpu.enqueue_indirect_dma source(%dma_start3A_587 : memref<100000x32xf32, #tpu.memory_space<hbm>>) target(%dma_start3A_581 : memref<128x32xf32, #tpu.memory_space<vmem>>) offsets(%dma_start3A_584 : memref<128xi32, #tpu.memory_space<vmem>>) semaphore(%arg23 : memref<!tpu.dma_semaphore, #tpu.memory_space<semaphore_mem>>)
      %dma_start3A_588 = arith.constant 6 : i32
      %dma_start3A_589 = arith.constant 256 : i32
      %dma_start3A_590 = arith.constant 0 : i32
      %dma_start3A_591 = tpu.memref_slice %arg21[%dma_start3A_589, %dma_start3A_590] : memref<512x32xf32, #tpu.memory_space<vmem>> -> memref<128x32xf32, #tpu.memory_space<vmem>>
      %dma_start3A_592 = arith.constant 0 : i32
      %dma_start3A_593 = tpu.memref_slice %arg12[%rem3A_118, %dma_start3A_588, %dma_start3A_592] : memref<2x8x128xi32, #tpu.memory_space<vmem>> -> memref<1x1x128xi32, #tpu.memory_space<vmem>>
      %dma_start3A_594 = tpu.memref_squeeze %dma_start3A_593 : memref<1x1x128xi32, #tpu.memory_space<vmem>> -> memref<128xi32, #tpu.memory_space<vmem>>
      %dma_start3A_595 = arith.constant 0 : i32
      %dma_start3A_596 = arith.constant 0 : i32
      %dma_start3A_597 = tpu.memref_slice %arg4[%dma_start3A_595, %dma_start3A_596] : memref<1000x32xf32, #tpu.memory_space<hbm>> -> memref<1000x32xf32, #tpu.memory_space<hbm>>
      tpu.enqueue_indirect_dma source(%dma_start3A_597 : memref<1000x32xf32, #tpu.memory_space<hbm>>) target(%dma_start3A_591 : memref<128x32xf32, #tpu.memory_space<vmem>>) offsets(%dma_start3A_594 : memref<128xi32, #tpu.memory_space<vmem>>) semaphore(%arg23 : memref<!tpu.dma_semaphore, #tpu.memory_space<semaphore_mem>>)
      %dma_start3A_598 = arith.constant 7 : i32
      %dma_start3A_599 = arith.constant 384 : i32
      %dma_start3A_600 = arith.constant 0 : i32
      %dma_start3A_601 = tpu.memref_slice %arg19[%dma_start3A_599, %dma_start3A_600] : memref<512x32xf32, #tpu.memory_space<vmem>> -> memref<128x32xf32, #tpu.memory_space<vmem>>
      %dma_start3A_602 = arith.constant 0 : i32
      %dma_start3A_603 = tpu.memref_slice %arg10[%rem3A_118, %dma_start3A_598, %dma_start3A_602] : memref<2x8x128xi32, #tpu.memory_space<vmem>> -> memref<1x1x128xi32, #tpu.memory_space<vmem>>
      %dma_start3A_604 = tpu.memref_squeeze %dma_start3A_603 : memref<1x1x128xi32, #tpu.memory_space<vmem>> -> memref<128xi32, #tpu.memory_space<vmem>>
      %dma_start3A_605 = arith.constant 0 : i32
      %dma_start3A_606 = arith.constant 0 : i32
      %dma_start3A_607 = tpu.memref_slice %arg2[%dma_start3A_605, %dma_start3A_606] : memref<1000000x32xf32, #tpu.memory_space<hbm>> -> memref<1000000x32xf32, #tpu.memory_space<hbm>>
      tpu.enqueue_indirect_dma source(%dma_start3A_607 : memref<1000000x32xf32, #tpu.memory_space<hbm>>) target(%dma_start3A_601 : memref<128x32xf32, #tpu.memory_space<vmem>>) offsets(%dma_start3A_604 : memref<128xi32, #tpu.memory_space<vmem>>) semaphore(%arg23 : memref<!tpu.dma_semaphore, #tpu.memory_space<semaphore_mem>>)
      %dma_start3A_608 = arith.constant 7 : i32
      %dma_start3A_609 = arith.constant 384 : i32
      %dma_start3A_610 = arith.constant 0 : i32
      %dma_start3A_611 = tpu.memref_slice %arg20[%dma_start3A_609, %dma_start3A_610] : memref<512x32xf32, #tpu.memory_space<vmem>> -> memref<128x32xf32, #tpu.memory_space<vmem>>
      %dma_start3A_612 = arith.constant 0 : i32
      %dma_start3A_613 = tpu.memref_slice %arg11[%rem3A_118, %dma_start3A_608, %dma_start3A_612] : memref<2x8x128xi32, #tpu.memory_space<vmem>> -> memref<1x1x128xi32, #tpu.memory_space<vmem>>
      %dma_start3A_614 = tpu.memref_squeeze %dma_start3A_613 : memref<1x1x128xi32, #tpu.memory_space<vmem>> -> memref<128xi32, #tpu.memory_space<vmem>>
      %dma_start3A_615 = arith.constant 0 : i32
      %dma_start3A_616 = arith.constant 0 : i32
      %dma_start3A_617 = tpu.memref_slice %arg3[%dma_start3A_615, %dma_start3A_616] : memref<100000x32xf32, #tpu.memory_space<hbm>> -> memref<100000x32xf32, #tpu.memory_space<hbm>>
      tpu.enqueue_indirect_dma source(%dma_start3A_617 : memref<100000x32xf32, #tpu.memory_space<hbm>>) target(%dma_start3A_611 : memref<128x32xf32, #tpu.memory_space<vmem>>) offsets(%dma_start3A_614 : memref<128xi32, #tpu.memory_space<vmem>>) semaphore(%arg23 : memref<!tpu.dma_semaphore, #tpu.memory_space<semaphore_mem>>)
      %dma_start3A_618 = arith.constant 7 : i32
      %dma_start3A_619 = arith.constant 384 : i32
      %dma_start3A_620 = arith.constant 0 : i32
      %dma_start3A_621 = tpu.memref_slice %arg21[%dma_start3A_619, %dma_start3A_620] : memref<512x32xf32, #tpu.memory_space<vmem>> -> memref<128x32xf32, #tpu.memory_space<vmem>>
      %dma_start3A_622 = arith.constant 0 : i32
      %dma_start3A_623 = tpu.memref_slice %arg12[%rem3A_118, %dma_start3A_618, %dma_start3A_622] : memref<2x8x128xi32, #tpu.memory_space<vmem>> -> memref<1x1x128xi32, #tpu.memory_space<vmem>>
      %dma_start3A_624 = tpu.memref_squeeze %dma_start3A_623 : memref<1x1x128xi32, #tpu.memory_space<vmem>> -> memref<128xi32, #tpu.memory_space<vmem>>
      %dma_start3A_625 = arith.constant 0 : i32
      %dma_start3A_626 = arith.constant 0 : i32
      %dma_start3A_627 = tpu.memref_slice %arg4[%dma_start3A_625, %dma_start3A_626] : memref<1000x32xf32, #tpu.memory_space<hbm>> -> memref<1000x32xf32, #tpu.memory_space<hbm>>
      tpu.enqueue_indirect_dma source(%dma_start3A_627 : memref<1000x32xf32, #tpu.memory_space<hbm>>) target(%dma_start3A_621 : memref<128x32xf32, #tpu.memory_space<vmem>>) offsets(%dma_start3A_624 : memref<128xi32, #tpu.memory_space<vmem>>) semaphore(%arg23 : memref<!tpu.dma_semaphore, #tpu.memory_space<semaphore_mem>>)
      %get3A_628 = arith.index_cast %rem3A_118 : i32 to index
      %get3A_629 = arith.constant 512 : index
      %get3A_630 = tpu.vector_load %arg13[%get3A_628, %get3A_629] {strides = array<i32>} : memref<2x1024xf32, #tpu.memory_space<vmem>>, vector<16xf32>,
      %add3A_631 = arith.constant 0 : i32
      %add3A_632 = vector.broadcast %add3A_631 : i32 to vector<16xi32>
      %add3A_633 = arith.addi %iota3A, %add3A_632 : vector<16xi32>
      tpu.vector_store_idx %arg15[%add3A_633, %broadcast_in_dim3A_3], %get3A_630 : memref<512x1xf32, #tpu.memory_space<vmem>>[vector<16xi32>, vector<16xi32>], vector<16xf32>,
      %get3A_634 = arith.index_cast %rem3A_118 : i32 to index
      %get3A_635 = arith.constant 528 : index
      %get3A_636 = tpu.vector_load %arg13[%get3A_634, %get3A_635] {strides = array<i32>} : memref<2x1024xf32, #tpu.memory_space<vmem>>, vector<16xf32>,
      %add3A_637 = arith.constant 16 : i32
      %add3A_638 = vector.broadcast %add3A_637 : i32 to vector<16xi32>
      %add3A_639 = arith.addi %iota3A, %add3A_638 : vector<16xi32>
      tpu.vector_store_idx %arg15[%add3A_639, %broadcast_in_dim3A_3], %get3A_636 : memref<512x1xf32, #tpu.memory_space<vmem>>[vector<16xi32>, vector<16xi32>], vector<16xf32>,
      %get3A_640 = arith.index_cast %rem3A_118 : i32 to index
      %get3A_641 = arith.constant 544 : index
      %get3A_642 = tpu.vector_load %arg13[%get3A_640, %get3A_641] {strides = array<i32>} : memref<2x1024xf32, #tpu.memory_space<vmem>>, vector<16xf32>,
      %add3A_643 = arith.constant 32 : i32
      %add3A_644 = vector.broadcast %add3A_643 : i32 to vector<16xi32>
      %add3A_645 = arith.addi %iota3A, %add3A_644 : vector<16xi32>
      tpu.vector_store_idx %arg15[%add3A_645, %broadcast_in_dim3A_3], %get3A_642 : memref<512x1xf32, #tpu.memory_space<vmem>>[vector<16xi32>, vector<16xi32>], vector<16xf32>,
      %get3A_646 = arith.index_cast %rem3A_118 : i32 to index
      %get3A_647 = arith.constant 560 : index
      %get3A_648 = tpu.vector_load %arg13[%get3A_646, %get3A_647] {strides = array<i32>} : memref<2x1024xf32, #tpu.memory_space<vmem>>, vector<16xf32>,
      %add3A_649 = arith.constant 48 : i32
      %add3A_650 = vector.broadcast %add3A_649 : i32 to vector<16xi32>
      %add3A_651 = arith.addi %iota3A, %add3A_650 : vector<16xi32>
      tpu.vector_store_idx %arg15[%add3A_651, %broadcast_in_dim3A_3], %get3A_648 : memref<512x1xf32, #tpu.memory_space<vmem>>[vector<16xi32>, vector<16xi32>], vector<16xf32>,
      %get3A_652 = arith.index_cast %rem3A_118 : i32 to index
      %get3A_653 = arith.constant 576 : index
      %get3A_654 = tpu.vector_load %arg13[%get3A_652, %get3A_653] {strides = array<i32>} : memref<2x1024xf32, #tpu.memory_space<vmem>>, vector<16xf32>,
      %add3A_655 = arith.constant 64 : i32
      %add3A_656 = vector.broadcast %add3A_655 : i32 to vector<16xi32>
      %add3A_657 = arith.addi %iota3A, %add3A_656 : vector<16xi32>
      tpu.vector_store_idx %arg15[%add3A_657, %broadcast_in_dim3A_3], %get3A_654 : memref<512x1xf32, #tpu.memory_space<vmem>>[vector<16xi32>, vector<16xi32>], vector<16xf32>,
      %get3A_658 = arith.index_cast %rem3A_118 : i32 to index
      %get3A_659 = arith.constant 592 : index
      %get3A_660 = tpu.vector_load %arg13[%get3A_658, %get3A_659] {strides = array<i32>} : memref<2x1024xf32, #tpu.memory_space<vmem>>, vector<16xf32>,
      %add3A_661 = arith.constant 80 : i32
      %add3A_662 = vector.broadcast %add3A_661 : i32 to vector<16xi32>
      %add3A_663 = arith.addi %iota3A, %add3A_662 : vector<16xi32>
      tpu.vector_store_idx %arg15[%add3A_663, %broadcast_in_dim3A_3], %get3A_660 : memref<512x1xf32, #tpu.memory_space<vmem>>[vector<16xi32>, vector<16xi32>], vector<16xf32>,
      %get3A_664 = arith.index_cast %rem3A_118 : i32 to index
      %get3A_665 = arith.constant 608 : index
      %get3A_666 = tpu.vector_load %arg13[%get3A_664, %get3A_665] {strides = array<i32>} : memref<2x1024xf32, #tpu.memory_space<vmem>>, vector<16xf32>,
      %add3A_667 = arith.constant 96 : i32
      %add3A_668 = vector.broadcast %add3A_667 : i32 to vector<16xi32>
      %add3A_669 = arith.addi %iota3A, %add3A_668 : vector<16xi32>
      tpu.vector_store_idx %arg15[%add3A_669, %broadcast_in_dim3A_3], %get3A_666 : memref<512x1xf32, #tpu.memory_space<vmem>>[vector<16xi32>, vector<16xi32>], vector<16xf32>,
      %get3A_670 = arith.index_cast %rem3A_118 : i32 to index
      %get3A_671 = arith.constant 624 : index
      %get3A_672 = tpu.vector_load %arg13[%get3A_670, %get3A_671] {strides = array<i32>} : memref<2x1024xf32, #tpu.memory_space<vmem>>, vector<16xf32>,
      %add3A_673 = arith.constant 112 : i32
      %add3A_674 = vector.broadcast %add3A_673 : i32 to vector<16xi32>
      %add3A_675 = arith.addi %iota3A, %add3A_674 : vector<16xi32>
      tpu.vector_store_idx %arg15[%add3A_675, %broadcast_in_dim3A_3], %get3A_672 : memref<512x1xf32, #tpu.memory_space<vmem>>[vector<16xi32>, vector<16xi32>], vector<16xf32>,
      %get3A_676 = arith.index_cast %rem3A_118 : i32 to index
      %get3A_677 = arith.constant 640 : index
      %get3A_678 = tpu.vector_load %arg13[%get3A_676, %get3A_677] {strides = array<i32>} : memref<2x1024xf32, #tpu.memory_space<vmem>>, vector<16xf32>,
      %add3A_679 = arith.constant 128 : i32
      %add3A_680 = vector.broadcast %add3A_679 : i32 to vector<16xi32>
      %add3A_681 = arith.addi %iota3A, %add3A_680 : vector<16xi32>
      tpu.vector_store_idx %arg15[%add3A_681, %broadcast_in_dim3A_3], %get3A_678 : memref<512x1xf32, #tpu.memory_space<vmem>>[vector<16xi32>, vector<16xi32>], vector<16xf32>,
      %get3A_682 = arith.index_cast %rem3A_118 : i32 to index
      %get3A_683 = arith.constant 656 : index
      %get3A_684 = tpu.vector_load %arg13[%get3A_682, %get3A_683] {strides = array<i32>} : memref<2x1024xf32, #tpu.memory_space<vmem>>, vector<16xf32>,
      %add3A_685 = arith.constant 144 : i32
      %add3A_686 = vector.broadcast %add3A_685 : i32 to vector<16xi32>
      %add3A_687 = arith.addi %iota3A, %add3A_686 : vector<16xi32>
      tpu.vector_store_idx %arg15[%add3A_687, %broadcast_in_dim3A_3], %get3A_684 : memref<512x1xf32, #tpu.memory_space<vmem>>[vector<16xi32>, vector<16xi32>], vector<16xf32>,
      %get3A_688 = arith.index_cast %rem3A_118 : i32 to index
      %get3A_689 = arith.constant 672 : index
      %get3A_690 = tpu.vector_load %arg13[%get3A_688, %get3A_689] {strides = array<i32>} : memref<2x1024xf32, #tpu.memory_space<vmem>>, vector<16xf32>,
      %add3A_691 = arith.constant 160 : i32
      %add3A_692 = vector.broadcast %add3A_691 : i32 to vector<16xi32>
      %add3A_693 = arith.addi %iota3A, %add3A_692 : vector<16xi32>
      tpu.vector_store_idx %arg15[%add3A_693, %broadcast_in_dim3A_3], %get3A_690 : memref<512x1xf32, #tpu.memory_space<vmem>>[vector<16xi32>, vector<16xi32>], vector<16xf32>,
      %get3A_694 = arith.index_cast %rem3A_118 : i32 to index
      %get3A_695 = arith.constant 688 : index
      %get3A_696 = tpu.vector_load %arg13[%get3A_694, %get3A_695] {strides = array<i32>} : memref<2x1024xf32, #tpu.memory_space<vmem>>, vector<16xf32>,
      %add3A_697 = arith.constant 176 : i32
      %add3A_698 = vector.broadcast %add3A_697 : i32 to vector<16xi32>
      %add3A_699 = arith.addi %iota3A, %add3A_698 : vector<16xi32>
      tpu.vector_store_idx %arg15[%add3A_699, %broadcast_in_dim3A_3], %get3A_696 : memref<512x1xf32, #tpu.memory_space<vmem>>[vector<16xi32>, vector<16xi32>], vector<16xf32>,
      %get3A_700 = arith.index_cast %rem3A_118 : i32 to index
      %get3A_701 = arith.constant 704 : index
      %get3A_702 = tpu.vector_load %arg13[%get3A_700, %get3A_701] {strides = array<i32>} : memref<2x1024xf32, #tpu.memory_space<vmem>>, vector<16xf32>,
      %add3A_703 = arith.constant 192 : i32
      %add3A_704 = vector.broadcast %add3A_703 : i32 to vector<16xi32>
      %add3A_705 = arith.addi %iota3A, %add3A_704 : vector<16xi32>
      tpu.vector_store_idx %arg15[%add3A_705, %broadcast_in_dim3A_3], %get3A_702 : memref<512x1xf32, #tpu.memory_space<vmem>>[vector<16xi32>, vector<16xi32>], vector<16xf32>,
      %get3A_706 = arith.index_cast %rem3A_118 : i32 to index
      %get3A_707 = arith.constant 720 : index
      %get3A_708 = tpu.vector_load %arg13[%get3A_706, %get3A_707] {strides = array<i32>} : memref<2x1024xf32, #tpu.memory_space<vmem>>, vector<16xf32>,
      %add3A_709 = arith.constant 208 : i32
      %add3A_710 = vector.broadcast %add3A_709 : i32 to vector<16xi32>
      %add3A_711 = arith.addi %iota3A, %add3A_710 : vector<16xi32>
      tpu.vector_store_idx %arg15[%add3A_711, %broadcast_in_dim3A_3], %get3A_708 : memref<512x1xf32, #tpu.memory_space<vmem>>[vector<16xi32>, vector<16xi32>], vector<16xf32>,
      %get3A_712 = arith.index_cast %rem3A_118 : i32 to index
      %get3A_713 = arith.constant 736 : index
      %get3A_714 = tpu.vector_load %arg13[%get3A_712, %get3A_713] {strides = array<i32>} : memref<2x1024xf32, #tpu.memory_space<vmem>>, vector<16xf32>,
      %add3A_715 = arith.constant 224 : i32
      %add3A_716 = vector.broadcast %add3A_715 : i32 to vector<16xi32>
      %add3A_717 = arith.addi %iota3A, %add3A_716 : vector<16xi32>
      tpu.vector_store_idx %arg15[%add3A_717, %broadcast_in_dim3A_3], %get3A_714 : memref<512x1xf32, #tpu.memory_space<vmem>>[vector<16xi32>, vector<16xi32>], vector<16xf32>,
      %get3A_718 = arith.index_cast %rem3A_118 : i32 to index
      %get3A_719 = arith.constant 752 : index
      %get3A_720 = tpu.vector_load %arg13[%get3A_718, %get3A_719] {strides = array<i32>} : memref<2x1024xf32, #tpu.memory_space<vmem>>, vector<16xf32>,
      %add3A_721 = arith.constant 240 : i32
      %add3A_722 = vector.broadcast %add3A_721 : i32 to vector<16xi32>
      %add3A_723 = arith.addi %iota3A, %add3A_722 : vector<16xi32>
      tpu.vector_store_idx %arg15[%add3A_723, %broadcast_in_dim3A_3], %get3A_720 : memref<512x1xf32, #tpu.memory_space<vmem>>[vector<16xi32>, vector<16xi32>], vector<16xf32>,
      %get3A_724 = arith.index_cast %rem3A_118 : i32 to index
      %get3A_725 = arith.constant 768 : index
      %get3A_726 = tpu.vector_load %arg13[%get3A_724, %get3A_725] {strides = array<i32>} : memref<2x1024xf32, #tpu.memory_space<vmem>>, vector<16xf32>,
      %add3A_727 = arith.constant 256 : i32
      %add3A_728 = vector.broadcast %add3A_727 : i32 to vector<16xi32>
      %add3A_729 = arith.addi %iota3A, %add3A_728 : vector<16xi32>
      tpu.vector_store_idx %arg15[%add3A_729, %broadcast_in_dim3A_3], %get3A_726 : memref<512x1xf32, #tpu.memory_space<vmem>>[vector<16xi32>, vector<16xi32>], vector<16xf32>,
      %get3A_730 = arith.index_cast %rem3A_118 : i32 to index
      %get3A_731 = arith.constant 784 : index
      %get3A_732 = tpu.vector_load %arg13[%get3A_730, %get3A_731] {strides = array<i32>} : memref<2x1024xf32, #tpu.memory_space<vmem>>, vector<16xf32>,
      %add3A_733 = arith.constant 272 : i32
      %add3A_734 = vector.broadcast %add3A_733 : i32 to vector<16xi32>
      %add3A_735 = arith.addi %iota3A, %add3A_734 : vector<16xi32>
      tpu.vector_store_idx %arg15[%add3A_735, %broadcast_in_dim3A_3], %get3A_732 : memref<512x1xf32, #tpu.memory_space<vmem>>[vector<16xi32>, vector<16xi32>], vector<16xf32>,
      %get3A_736 = arith.index_cast %rem3A_118 : i32 to index
      %get3A_737 = arith.constant 800 : index
      %get3A_738 = tpu.vector_load %arg13[%get3A_736, %get3A_737] {strides = array<i32>} : memref<2x1024xf32, #tpu.memory_space<vmem>>, vector<16xf32>,
      %add3A_739 = arith.constant 288 : i32
      %add3A_740 = vector.broadcast %add3A_739 : i32 to vector<16xi32>
      %add3A_741 = arith.addi %iota3A, %add3A_740 : vector<16xi32>
      tpu.vector_store_idx %arg15[%add3A_741, %broadcast_in_dim3A_3], %get3A_738 : memref<512x1xf32, #tpu.memory_space<vmem>>[vector<16xi32>, vector<16xi32>], vector<16xf32>,
      %get3A_742 = arith.index_cast %rem3A_118 : i32 to index
      %get3A_743 = arith.constant 816 : index
      %get3A_744 = tpu.vector_load %arg13[%get3A_742, %get3A_743] {strides = array<i32>} : memref<2x1024xf32, #tpu.memory_space<vmem>>, vector<16xf32>,
      %add3A_745 = arith.constant 304 : i32
      %add3A_746 = vector.broadcast %add3A_745 : i32 to vector<16xi32>
      %add3A_747 = arith.addi %iota3A, %add3A_746 : vector<16xi32>
      tpu.vector_store_idx %arg15[%add3A_747, %broadcast_in_dim3A_3], %get3A_744 : memref<512x1xf32, #tpu.memory_space<vmem>>[vector<16xi32>, vector<16xi32>], vector<16xf32>,
      %get3A_748 = arith.index_cast %rem3A_118 : i32 to index
      %get3A_749 = arith.constant 832 : index
      %get3A_750 = tpu.vector_load %arg13[%get3A_748, %get3A_749] {strides = array<i32>} : memref<2x1024xf32, #tpu.memory_space<vmem>>, vector<16xf32>,
      %add3A_751 = arith.constant 320 : i32
      %add3A_752 = vector.broadcast %add3A_751 : i32 to vector<16xi32>
      %add3A_753 = arith.addi %iota3A, %add3A_752 : vector<16xi32>
      tpu.vector_store_idx %arg15[%add3A_753, %broadcast_in_dim3A_3], %get3A_750 : memref<512x1xf32, #tpu.memory_space<vmem>>[vector<16xi32>, vector<16xi32>], vector<16xf32>,
      %get3A_754 = arith.index_cast %rem3A_118 : i32 to index
      %get3A_755 = arith.constant 848 : index
      %get3A_756 = tpu.vector_load %arg13[%get3A_754, %get3A_755] {strides = array<i32>} : memref<2x1024xf32, #tpu.memory_space<vmem>>, vector<16xf32>,
      %add3A_757 = arith.constant 336 : i32
      %add3A_758 = vector.broadcast %add3A_757 : i32 to vector<16xi32>
      %add3A_759 = arith.addi %iota3A, %add3A_758 : vector<16xi32>
      tpu.vector_store_idx %arg15[%add3A_759, %broadcast_in_dim3A_3], %get3A_756 : memref<512x1xf32, #tpu.memory_space<vmem>>[vector<16xi32>, vector<16xi32>], vector<16xf32>,
      %get3A_760 = arith.index_cast %rem3A_118 : i32 to index
      %get3A_761 = arith.constant 864 : index
      %get3A_762 = tpu.vector_load %arg13[%get3A_760, %get3A_761] {strides = array<i32>} : memref<2x1024xf32, #tpu.memory_space<vmem>>, vector<16xf32>,
      %add3A_763 = arith.constant 352 : i32
      %add3A_764 = vector.broadcast %add3A_763 : i32 to vector<16xi32>
      %add3A_765 = arith.addi %iota3A, %add3A_764 : vector<16xi32>
      tpu.vector_store_idx %arg15[%add3A_765, %broadcast_in_dim3A_3], %get3A_762 : memref<512x1xf32, #tpu.memory_space<vmem>>[vector<16xi32>, vector<16xi32>], vector<16xf32>,
      %get3A_766 = arith.index_cast %rem3A_118 : i32 to index
      %get3A_767 = arith.constant 880 : index
      %get3A_768 = tpu.vector_load %arg13[%get3A_766, %get3A_767] {strides = array<i32>} : memref<2x1024xf32, #tpu.memory_space<vmem>>, vector<16xf32>,
      %add3A_769 = arith.constant 368 : i32
      %add3A_770 = vector.broadcast %add3A_769 : i32 to vector<16xi32>
      %add3A_771 = arith.addi %iota3A, %add3A_770 : vector<16xi32>
      tpu.vector_store_idx %arg15[%add3A_771, %broadcast_in_dim3A_3], %get3A_768 : memref<512x1xf32, #tpu.memory_space<vmem>>[vector<16xi32>, vector<16xi32>], vector<16xf32>,
      %get3A_772 = arith.index_cast %rem3A_118 : i32 to index
      %get3A_773 = arith.constant 896 : index
      %get3A_774 = tpu.vector_load %arg13[%get3A_772, %get3A_773] {strides = array<i32>} : memref<2x1024xf32, #tpu.memory_space<vmem>>, vector<16xf32>,
      %add3A_775 = arith.constant 384 : i32
      %add3A_776 = vector.broadcast %add3A_775 : i32 to vector<16xi32>
      %add3A_777 = arith.addi %iota3A, %add3A_776 : vector<16xi32>
      tpu.vector_store_idx %arg15[%add3A_777, %broadcast_in_dim3A_3], %get3A_774 : memref<512x1xf32, #tpu.memory_space<vmem>>[vector<16xi32>, vector<16xi32>], vector<16xf32>,
      %get3A_778 = arith.index_cast %rem3A_118 : i32 to index
      %get3A_779 = arith.constant 912 : index
      %get3A_780 = tpu.vector_load %arg13[%get3A_778, %get3A_779] {strides = array<i32>} : memref<2x1024xf32, #tpu.memory_space<vmem>>, vector<16xf32>,
      %add3A_781 = arith.constant 400 : i32
      %add3A_782 = vector.broadcast %add3A_781 : i32 to vector<16xi32>
      %add3A_783 = arith.addi %iota3A, %add3A_782 : vector<16xi32>
      tpu.vector_store_idx %arg15[%add3A_783, %broadcast_in_dim3A_3], %get3A_780 : memref<512x1xf32, #tpu.memory_space<vmem>>[vector<16xi32>, vector<16xi32>], vector<16xf32>,
      %get3A_784 = arith.index_cast %rem3A_118 : i32 to index
      %get3A_785 = arith.constant 928 : index
      %get3A_786 = tpu.vector_load %arg13[%get3A_784, %get3A_785] {strides = array<i32>} : memref<2x1024xf32, #tpu.memory_space<vmem>>, vector<16xf32>,
      %add3A_787 = arith.constant 416 : i32
      %add3A_788 = vector.broadcast %add3A_787 : i32 to vector<16xi32>
      %add3A_789 = arith.addi %iota3A, %add3A_788 : vector<16xi32>
      tpu.vector_store_idx %arg15[%add3A_789, %broadcast_in_dim3A_3], %get3A_786 : memref<512x1xf32, #tpu.memory_space<vmem>>[vector<16xi32>, vector<16xi32>], vector<16xf32>,
      %get3A_790 = arith.index_cast %rem3A_118 : i32 to index
      %get3A_791 = arith.constant 944 : index
      %get3A_792 = tpu.vector_load %arg13[%get3A_790, %get3A_791] {strides = array<i32>} : memref<2x1024xf32, #tpu.memory_space<vmem>>, vector<16xf32>,
      %add3A_793 = arith.constant 432 : i32
      %add3A_794 = vector.broadcast %add3A_793 : i32 to vector<16xi32>
      %add3A_795 = arith.addi %iota3A, %add3A_794 : vector<16xi32>
      tpu.vector_store_idx %arg15[%add3A_795, %broadcast_in_dim3A_3], %get3A_792 : memref<512x1xf32, #tpu.memory_space<vmem>>[vector<16xi32>, vector<16xi32>], vector<16xf32>,
      %get3A_796 = arith.index_cast %rem3A_118 : i32 to index
      %get3A_797 = arith.constant 960 : index
      %get3A_798 = tpu.vector_load %arg13[%get3A_796, %get3A_797] {strides = array<i32>} : memref<2x1024xf32, #tpu.memory_space<vmem>>, vector<16xf32>,
      %add3A_799 = arith.constant 448 : i32
      %add3A_800 = vector.broadcast %add3A_799 : i32 to vector<16xi32>
      %add3A_801 = arith.addi %iota3A, %add3A_800 : vector<16xi32>
      tpu.vector_store_idx %arg15[%add3A_801, %broadcast_in_dim3A_3], %get3A_798 : memref<512x1xf32, #tpu.memory_space<vmem>>[vector<16xi32>, vector<16xi32>], vector<16xf32>,
      %get3A_802 = arith.index_cast %rem3A_118 : i32 to index
      %get3A_803 = arith.constant 976 : index
      %get3A_804 = tpu.vector_load %arg13[%get3A_802, %get3A_803] {strides = array<i32>} : memref<2x1024xf32, #tpu.memory_space<vmem>>, vector<16xf32>,
      %add3A_805 = arith.constant 464 : i32
      %add3A_806 = vector.broadcast %add3A_805 : i32 to vector<16xi32>
      %add3A_807 = arith.addi %iota3A, %add3A_806 : vector<16xi32>
      tpu.vector_store_idx %arg15[%add3A_807, %broadcast_in_dim3A_3], %get3A_804 : memref<512x1xf32, #tpu.memory_space<vmem>>[vector<16xi32>, vector<16xi32>], vector<16xf32>,
      %get3A_808 = arith.index_cast %rem3A_118 : i32 to index
      %get3A_809 = arith.constant 992 : index
      %get3A_810 = tpu.vector_load %arg13[%get3A_808, %get3A_809] {strides = array<i32>} : memref<2x1024xf32, #tpu.memory_space<vmem>>, vector<16xf32>,
      %add3A_811 = arith.constant 480 : i32
      %add3A_812 = vector.broadcast %add3A_811 : i32 to vector<16xi32>
      %add3A_813 = arith.addi %iota3A, %add3A_812 : vector<16xi32>
      tpu.vector_store_idx %arg15[%add3A_813, %broadcast_in_dim3A_3], %get3A_810 : memref<512x1xf32, #tpu.memory_space<vmem>>[vector<16xi32>, vector<16xi32>], vector<16xf32>,
      %get3A_814 = arith.index_cast %rem3A_118 : i32 to index
      %get3A_815 = arith.constant 1008 : index
      %get3A_816 = tpu.vector_load %arg13[%get3A_814, %get3A_815] {strides = array<i32>} : memref<2x1024xf32, #tpu.memory_space<vmem>>, vector<16xf32>,
      %add3A_817 = arith.constant 496 : i32
      %add3A_818 = vector.broadcast %add3A_817 : i32 to vector<16xi32>
      %add3A_819 = arith.addi %iota3A, %add3A_818 : vector<16xi32>
      tpu.vector_store_idx %arg15[%add3A_819, %broadcast_in_dim3A_3], %get3A_816 : memref<512x1xf32, #tpu.memory_space<vmem>>[vector<16xi32>, vector<16xi32>], vector<16xf32>,
      %lt3A = arith.constant 24 : i32
      %lt3A_820 = arith.cmpi slt, %add3A_116, %lt3A : i32
      %convert_element_type3A_821 = arith.extui %lt3A_820 : i1 to i32
      %cond3A_822 = arith.constant 0 : i32
      %cond3A_823 = arith.cmpi ne, %convert_element_type3A_821, %cond3A_822 : i32
      scf.if %cond3A_823 {
        %add3A_1106 = arith.constant 1 : i32
        %add3A_1107 = arith.addi %add3A_116, %add3A_1106 : i32
        %sub3A_1108 = arith.constant 1 : i32
        %sub3A_1109 = arith.subi %sub3A_1108, %rem3A_118 : i32
        %mul3A_1110 = arith.constant 1024 : i32
        %mul3A_1111 = arith.muli %add3A_1107, %mul3A_1110 : i32
        %add3A_1112 = arith.addi %mul3A_2, %mul3A_1111 : i32
        %jit3A_1113 = arith.constant 128 : i32
        %div3A_1114 = arith.divsi %add3A_1112, %jit3A_1113 : i32
        %sign3A_1115 = arith.constant 0 : i32
        %sign3A_1116 = arith.cmpi sgt, %add3A_1112, %sign3A_1115 : i32
        %sign3A_1117 = arith.extui %sign3A_1116 : i1 to i32
        %sign3A_1118 = arith.constant 0 : i32
        %sign3A_1119 = arith.cmpi slt, %add3A_1112, %sign3A_1118 : i32
        %sign3A_1120 = arith.extui %sign3A_1119 : i1 to i32
        %sign3A_1121 = arith.subi %sign3A_1117, %sign3A_1120 : i32
        %sign3A_1122 = arith.constant 0 : i32
        %sign3A_1123 = arith.cmpi sgt, %jit3A_1113, %sign3A_1122 : i32
        %sign3A_1124 = arith.extui %sign3A_1123 : i1 to i32
        %sign3A_1125 = arith.constant 0 : i32
        %sign3A_1126 = arith.cmpi slt, %jit3A_1113, %sign3A_1125 : i32
        %sign3A_1127 = arith.extui %sign3A_1126 : i1 to i32
        %sign3A_1128 = arith.subi %sign3A_1124, %sign3A_1127 : i32
        %ne3A_1129 = arith.cmpi ne, %sign3A_1121, %sign3A_1128 : i32
        %rem3A_1130 = arith.remsi %add3A_1112, %jit3A_1113 : i32
        %ne3A_1131 = arith.constant 0 : i32
        %ne3A_1132 = arith.cmpi ne, %rem3A_1130, %ne3A_1131 : i32
        %and3A_1133 = arith.andi %ne3A_1129, %ne3A_1132 : i1
        %sub3A_1134 = arith.constant 1 : i32
        %sub3A_1135 = arith.subi %div3A_1114, %sub3A_1134 : i32
        %select_n3A_1136 = arith.select %and3A_1133, %sub3A_1135, %div3A_1114 : i32
        %dma_start3A_1137 = arith.constant 0 : i32
        %dma_start3A_1138 = arith.constant 0 : i32
        %dma_start3A_1139 = tpu.memref_slice %arg10[%sub3A_1109, %dma_start3A_1137, %dma_start3A_1138] : memref<2x8x128xi32, #tpu.memory_space<vmem>> -> memref<1x8x128xi32, #tpu.memory_space<vmem>>
        %dma_start3A_1140 = tpu.memref_squeeze %dma_start3A_1139 : memref<1x8x128xi32, #tpu.memory_space<vmem>> -> memref<8x128xi32, #tpu.memory_space<vmem>>
        %dma_start3A_1141 = arith.constant 0 : i32
        %dma_start3A_1142 = tpu.memref_slice %arg6[%select_n3A_1136, %dma_start3A_1141] : memref<6400x128xi32, #tpu.memory_space<hbm>> -> memref<8x128xi32, #tpu.memory_space<hbm>>
        %dma_start3A_1143 = arith.constant 0 : i32
        %dma_start3A_1144 = arith.constant 0 : i32
        %dma_start3A_1145 = tpu.memref_slice %arg10[%sub3A_1109, %dma_start3A_1143, %dma_start3A_1144] : memref<2x8x128xi32, #tpu.memory_space<vmem>> -> memref<1x8x128xi32, #tpu.memory_space<vmem>>
        %dma_start3A_1146 = tpu.memref_squeeze %dma_start3A_1145 : memref<1x8x128xi32, #tpu.memory_space<vmem>> -> memref<8x128xi32, #tpu.memory_space<vmem>>
        %dma_start3A_1147 = arith.constant 0 : i32
        %dma_start3A_1148 = tpu.memref_slice %arg6[%select_n3A_1136, %dma_start3A_1147] : memref<6400x128xi32, #tpu.memory_space<hbm>> -> memref<8x128xi32, #tpu.memory_space<hbm>>
        tpu.enqueue_dma source(%dma_start3A_1148 : memref<8x128xi32, #tpu.memory_space<hbm>>) target(%dma_start3A_1146 : memref<8x128xi32, #tpu.memory_space<vmem>>) target_semaphore(%arg22 : memref<!tpu.dma_semaphore, #tpu.memory_space<semaphore_mem>>)
        %dma_start3A_1149 = arith.constant 0 : i32
        %dma_start3A_1150 = arith.constant 0 : i32
        %dma_start3A_1151 = tpu.memref_slice %arg11[%sub3A_1109, %dma_start3A_1149, %dma_start3A_1150] : memref<2x8x128xi32, #tpu.memory_space<vmem>> -> memref<1x8x128xi32, #tpu.memory_space<vmem>>
        %dma_start3A_1152 = tpu.memref_squeeze %dma_start3A_1151 : memref<1x8x128xi32, #tpu.memory_space<vmem>> -> memref<8x128xi32, #tpu.memory_space<vmem>>
        %dma_start3A_1153 = arith.constant 0 : i32
        %dma_start3A_1154 = tpu.memref_slice %arg7[%select_n3A_1136, %dma_start3A_1153] : memref<6400x128xi32, #tpu.memory_space<hbm>> -> memref<8x128xi32, #tpu.memory_space<hbm>>
        %dma_start3A_1155 = arith.constant 0 : i32
        %dma_start3A_1156 = arith.constant 0 : i32
        %dma_start3A_1157 = tpu.memref_slice %arg11[%sub3A_1109, %dma_start3A_1155, %dma_start3A_1156] : memref<2x8x128xi32, #tpu.memory_space<vmem>> -> memref<1x8x128xi32, #tpu.memory_space<vmem>>
        %dma_start3A_1158 = tpu.memref_squeeze %dma_start3A_1157 : memref<1x8x128xi32, #tpu.memory_space<vmem>> -> memref<8x128xi32, #tpu.memory_space<vmem>>
        %dma_start3A_1159 = arith.constant 0 : i32
        %dma_start3A_1160 = tpu.memref_slice %arg7[%select_n3A_1136, %dma_start3A_1159] : memref<6400x128xi32, #tpu.memory_space<hbm>> -> memref<8x128xi32, #tpu.memory_space<hbm>>
        tpu.enqueue_dma source(%dma_start3A_1160 : memref<8x128xi32, #tpu.memory_space<hbm>>) target(%dma_start3A_1158 : memref<8x128xi32, #tpu.memory_space<vmem>>) target_semaphore(%arg22 : memref<!tpu.dma_semaphore, #tpu.memory_space<semaphore_mem>>)
        %dma_start3A_1161 = arith.constant 0 : i32
        %dma_start3A_1162 = arith.constant 0 : i32
        %dma_start3A_1163 = tpu.memref_slice %arg12[%sub3A_1109, %dma_start3A_1161, %dma_start3A_1162] : memref<2x8x128xi32, #tpu.memory_space<vmem>> -> memref<1x8x128xi32, #tpu.memory_space<vmem>>
        %dma_start3A_1164 = tpu.memref_squeeze %dma_start3A_1163 : memref<1x8x128xi32, #tpu.memory_space<vmem>> -> memref<8x128xi32, #tpu.memory_space<vmem>>
        %dma_start3A_1165 = arith.constant 0 : i32
        %dma_start3A_1166 = tpu.memref_slice %arg8[%select_n3A_1136, %dma_start3A_1165] : memref<6400x128xi32, #tpu.memory_space<hbm>> -> memref<8x128xi32, #tpu.memory_space<hbm>>
        %dma_start3A_1167 = arith.constant 0 : i32
        %dma_start3A_1168 = arith.constant 0 : i32
        %dma_start3A_1169 = tpu.memref_slice %arg12[%sub3A_1109, %dma_start3A_1167, %dma_start3A_1168] : memref<2x8x128xi32, #tpu.memory_space<vmem>> -> memref<1x8x128xi32, #tpu.memory_space<vmem>>
        %dma_start3A_1170 = tpu.memref_squeeze %dma_start3A_1169 : memref<1x8x128xi32, #tpu.memory_space<vmem>> -> memref<8x128xi32, #tpu.memory_space<vmem>>
        %dma_start3A_1171 = arith.constant 0 : i32
        %dma_start3A_1172 = tpu.memref_slice %arg8[%select_n3A_1136, %dma_start3A_1171] : memref<6400x128xi32, #tpu.memory_space<hbm>> -> memref<8x128xi32, #tpu.memory_space<hbm>>
        tpu.enqueue_dma source(%dma_start3A_1172 : memref<8x128xi32, #tpu.memory_space<hbm>>) target(%dma_start3A_1170 : memref<8x128xi32, #tpu.memory_space<vmem>>) target_semaphore(%arg22 : memref<!tpu.dma_semaphore, #tpu.memory_space<semaphore_mem>>)
        %dma_start3A_1173 = arith.constant 0 : i32
        %dma_start3A_1174 = tpu.memref_slice %arg13[%sub3A_1109, %dma_start3A_1173] : memref<2x1024xf32, #tpu.memory_space<vmem>> -> memref<1x1024xf32, #tpu.memory_space<vmem>>
        %dma_start3A_1175 = tpu.memref_squeeze %dma_start3A_1174 : memref<1x1024xf32, #tpu.memory_space<vmem>> -> memref<1024xf32, #tpu.memory_space<vmem>>
        %dma_start3A_1176 = tpu.memref_slice %arg5[%add3A_1112] : memref<819200xf32, #tpu.memory_space<hbm>> -> memref<1024xf32, #tpu.memory_space<hbm>>
        %dma_start3A_1177 = arith.constant 0 : i32
        %dma_start3A_1178 = tpu.memref_slice %arg13[%sub3A_1109, %dma_start3A_1177] : memref<2x1024xf32, #tpu.memory_space<vmem>> -> memref<1x1024xf32, #tpu.memory_space<vmem>>
        %dma_start3A_1179 = tpu.memref_squeeze %dma_start3A_1178 : memref<1x1024xf32, #tpu.memory_space<vmem>> -> memref<1024xf32, #tpu.memory_space<vmem>>
        %dma_start3A_1180 = tpu.memref_slice %arg5[%add3A_1112] : memref<819200xf32, #tpu.memory_space<hbm>> -> memref<1024xf32, #tpu.memory_space<hbm>>
        tpu.enqueue_dma source(%dma_start3A_1180 : memref<1024xf32, #tpu.memory_space<hbm>>) target(%dma_start3A_1179 : memref<1024xf32, #tpu.memory_space<vmem>>) target_semaphore(%arg22 : memref<!tpu.dma_semaphore, #tpu.memory_space<semaphore_mem>>)
      } else {
      }
      %dma_wait3A_824 = arith.constant 0 : i32
      %dma_wait3A_825 = arith.constant 0 : i32
      %dma_wait3A_826 = arith.constant 0 : i32
      %dma_wait3A_827 = tpu.memref_slice %arg16[%dma_wait3A_825, %dma_wait3A_826] : memref<512x32xf32, #tpu.memory_space<vmem>> -> memref<128x32xf32, #tpu.memory_space<vmem>>
      %dma_wait3A_828 = arith.constant 0 : i32
      %dma_wait3A_829 = tpu.memref_slice %arg10[%rem3A_118, %dma_wait3A_824, %dma_wait3A_828] : memref<2x8x128xi32, #tpu.memory_space<vmem>> -> memref<1x1x128xi32, #tpu.memory_space<vmem>>
      %dma_wait3A_830 = tpu.memref_squeeze %dma_wait3A_829 : memref<1x1x128xi32, #tpu.memory_space<vmem>> -> memref<128xi32, #tpu.memory_space<vmem>>
      %dma_wait3A_831 = arith.constant 0 : i32
      %dma_wait3A_832 = arith.constant 0 : i32
      %dma_wait3A_833 = tpu.memref_slice %arg2[%dma_wait3A_831, %dma_wait3A_832] : memref<1000000x32xf32, #tpu.memory_space<hbm>> -> memref<1000000x32xf32, #tpu.memory_space<hbm>>
      tpu.wait_indirect_dma semaphore(%arg23 : memref<!tpu.dma_semaphore, #tpu.memory_space<semaphore_mem>>) src(%dma_wait3A_833 : memref<1000000x32xf32, #tpu.memory_space<hbm>>) dst(%dma_wait3A_827 : memref<128x32xf32, #tpu.memory_space<vmem>>)
      %dma_wait3A_834 = arith.constant 0 : i32
      %dma_wait3A_835 = arith.constant 0 : i32
      %dma_wait3A_836 = arith.constant 0 : i32
      %dma_wait3A_837 = tpu.memref_slice %arg17[%dma_wait3A_835, %dma_wait3A_836] : memref<512x32xf32, #tpu.memory_space<vmem>> -> memref<128x32xf32, #tpu.memory_space<vmem>>
      %dma_wait3A_838 = arith.constant 0 : i32
      %dma_wait3A_839 = tpu.memref_slice %arg11[%rem3A_118, %dma_wait3A_834, %dma_wait3A_838] : memref<2x8x128xi32, #tpu.memory_space<vmem>> -> memref<1x1x128xi32, #tpu.memory_space<vmem>>
      %dma_wait3A_840 = tpu.memref_squeeze %dma_wait3A_839 : memref<1x1x128xi32, #tpu.memory_space<vmem>> -> memref<128xi32, #tpu.memory_space<vmem>>
      %dma_wait3A_841 = arith.constant 0 : i32
      %dma_wait3A_842 = arith.constant 0 : i32
      %dma_wait3A_843 = tpu.memref_slice %arg3[%dma_wait3A_841, %dma_wait3A_842] : memref<100000x32xf32, #tpu.memory_space<hbm>> -> memref<100000x32xf32, #tpu.memory_space<hbm>>
      tpu.wait_indirect_dma semaphore(%arg23 : memref<!tpu.dma_semaphore, #tpu.memory_space<semaphore_mem>>) src(%dma_wait3A_843 : memref<100000x32xf32, #tpu.memory_space<hbm>>) dst(%dma_wait3A_837 : memref<128x32xf32, #tpu.memory_space<vmem>>)
      %dma_wait3A_844 = arith.constant 0 : i32
      %dma_wait3A_845 = arith.constant 0 : i32
      %dma_wait3A_846 = arith.constant 0 : i32
      %dma_wait3A_847 = tpu.memref_slice %arg18[%dma_wait3A_845, %dma_wait3A_846] : memref<512x32xf32, #tpu.memory_space<vmem>> -> memref<128x32xf32, #tpu.memory_space<vmem>>
      %dma_wait3A_848 = arith.constant 0 : i32
      %dma_wait3A_849 = tpu.memref_slice %arg12[%rem3A_118, %dma_wait3A_844, %dma_wait3A_848] : memref<2x8x128xi32, #tpu.memory_space<vmem>> -> memref<1x1x128xi32, #tpu.memory_space<vmem>>
      %dma_wait3A_850 = tpu.memref_squeeze %dma_wait3A_849 : memref<1x1x128xi32, #tpu.memory_space<vmem>> -> memref<128xi32, #tpu.memory_space<vmem>>
      %dma_wait3A_851 = arith.constant 0 : i32
      %dma_wait3A_852 = arith.constant 0 : i32
      %dma_wait3A_853 = tpu.memref_slice %arg4[%dma_wait3A_851, %dma_wait3A_852] : memref<1000x32xf32, #tpu.memory_space<hbm>> -> memref<1000x32xf32, #tpu.memory_space<hbm>>
      tpu.wait_indirect_dma semaphore(%arg23 : memref<!tpu.dma_semaphore, #tpu.memory_space<semaphore_mem>>) src(%dma_wait3A_853 : memref<1000x32xf32, #tpu.memory_space<hbm>>) dst(%dma_wait3A_847 : memref<128x32xf32, #tpu.memory_space<vmem>>)
      %dma_wait3A_854 = arith.constant 1 : i32
      %dma_wait3A_855 = arith.constant 128 : i32
      %dma_wait3A_856 = arith.constant 0 : i32
      %dma_wait3A_857 = tpu.memref_slice %arg16[%dma_wait3A_855, %dma_wait3A_856] : memref<512x32xf32, #tpu.memory_space<vmem>> -> memref<128x32xf32, #tpu.memory_space<vmem>>
      %dma_wait3A_858 = arith.constant 0 : i32
      %dma_wait3A_859 = tpu.memref_slice %arg10[%rem3A_118, %dma_wait3A_854, %dma_wait3A_858] : memref<2x8x128xi32, #tpu.memory_space<vmem>> -> memref<1x1x128xi32, #tpu.memory_space<vmem>>
      %dma_wait3A_860 = tpu.memref_squeeze %dma_wait3A_859 : memref<1x1x128xi32, #tpu.memory_space<vmem>> -> memref<128xi32, #tpu.memory_space<vmem>>
      %dma_wait3A_861 = arith.constant 0 : i32
      %dma_wait3A_862 = arith.constant 0 : i32
      %dma_wait3A_863 = tpu.memref_slice %arg2[%dma_wait3A_861, %dma_wait3A_862] : memref<1000000x32xf32, #tpu.memory_space<hbm>> -> memref<1000000x32xf32, #tpu.memory_space<hbm>>
      tpu.wait_indirect_dma semaphore(%arg23 : memref<!tpu.dma_semaphore, #tpu.memory_space<semaphore_mem>>) src(%dma_wait3A_863 : memref<1000000x32xf32, #tpu.memory_space<hbm>>) dst(%dma_wait3A_857 : memref<128x32xf32, #tpu.memory_space<vmem>>)
      %dma_wait3A_864 = arith.constant 1 : i32
      %dma_wait3A_865 = arith.constant 128 : i32
      %dma_wait3A_866 = arith.constant 0 : i32
      %dma_wait3A_867 = tpu.memref_slice %arg17[%dma_wait3A_865, %dma_wait3A_866] : memref<512x32xf32, #tpu.memory_space<vmem>> -> memref<128x32xf32, #tpu.memory_space<vmem>>
      %dma_wait3A_868 = arith.constant 0 : i32
      %dma_wait3A_869 = tpu.memref_slice %arg11[%rem3A_118, %dma_wait3A_864, %dma_wait3A_868] : memref<2x8x128xi32, #tpu.memory_space<vmem>> -> memref<1x1x128xi32, #tpu.memory_space<vmem>>
      %dma_wait3A_870 = tpu.memref_squeeze %dma_wait3A_869 : memref<1x1x128xi32, #tpu.memory_space<vmem>> -> memref<128xi32, #tpu.memory_space<vmem>>
      %dma_wait3A_871 = arith.constant 0 : i32
      %dma_wait3A_872 = arith.constant 0 : i32
      %dma_wait3A_873 = tpu.memref_slice %arg3[%dma_wait3A_871, %dma_wait3A_872] : memref<100000x32xf32, #tpu.memory_space<hbm>> -> memref<100000x32xf32, #tpu.memory_space<hbm>>
      tpu.wait_indirect_dma semaphore(%arg23 : memref<!tpu.dma_semaphore, #tpu.memory_space<semaphore_mem>>) src(%dma_wait3A_873 : memref<100000x32xf32, #tpu.memory_space<hbm>>) dst(%dma_wait3A_867 : memref<128x32xf32, #tpu.memory_space<vmem>>)
      %dma_wait3A_874 = arith.constant 1 : i32
      %dma_wait3A_875 = arith.constant 128 : i32
      %dma_wait3A_876 = arith.constant 0 : i32
      %dma_wait3A_877 = tpu.memref_slice %arg18[%dma_wait3A_875, %dma_wait3A_876] : memref<512x32xf32, #tpu.memory_space<vmem>> -> memref<128x32xf32, #tpu.memory_space<vmem>>
      %dma_wait3A_878 = arith.constant 0 : i32
      %dma_wait3A_879 = tpu.memref_slice %arg12[%rem3A_118, %dma_wait3A_874, %dma_wait3A_878] : memref<2x8x128xi32, #tpu.memory_space<vmem>> -> memref<1x1x128xi32, #tpu.memory_space<vmem>>
      %dma_wait3A_880 = tpu.memref_squeeze %dma_wait3A_879 : memref<1x1x128xi32, #tpu.memory_space<vmem>> -> memref<128xi32, #tpu.memory_space<vmem>>
      %dma_wait3A_881 = arith.constant 0 : i32
      %dma_wait3A_882 = arith.constant 0 : i32
      %dma_wait3A_883 = tpu.memref_slice %arg4[%dma_wait3A_881, %dma_wait3A_882] : memref<1000x32xf32, #tpu.memory_space<hbm>> -> memref<1000x32xf32, #tpu.memory_space<hbm>>
      tpu.wait_indirect_dma semaphore(%arg23 : memref<!tpu.dma_semaphore, #tpu.memory_space<semaphore_mem>>) src(%dma_wait3A_883 : memref<1000x32xf32, #tpu.memory_space<hbm>>) dst(%dma_wait3A_877 : memref<128x32xf32, #tpu.memory_space<vmem>>)
      %dma_wait3A_884 = arith.constant 2 : i32
      %dma_wait3A_885 = arith.constant 256 : i32
      %dma_wait3A_886 = arith.constant 0 : i32
      %dma_wait3A_887 = tpu.memref_slice %arg16[%dma_wait3A_885, %dma_wait3A_886] : memref<512x32xf32, #tpu.memory_space<vmem>> -> memref<128x32xf32, #tpu.memory_space<vmem>>
      %dma_wait3A_888 = arith.constant 0 : i32
      %dma_wait3A_889 = tpu.memref_slice %arg10[%rem3A_118, %dma_wait3A_884, %dma_wait3A_888] : memref<2x8x128xi32, #tpu.memory_space<vmem>> -> memref<1x1x128xi32, #tpu.memory_space<vmem>>
      %dma_wait3A_890 = tpu.memref_squeeze %dma_wait3A_889 : memref<1x1x128xi32, #tpu.memory_space<vmem>> -> memref<128xi32, #tpu.memory_space<vmem>>
      %dma_wait3A_891 = arith.constant 0 : i32
      %dma_wait3A_892 = arith.constant 0 : i32
      %dma_wait3A_893 = tpu.memref_slice %arg2[%dma_wait3A_891, %dma_wait3A_892] : memref<1000000x32xf32, #tpu.memory_space<hbm>> -> memref<1000000x32xf32, #tpu.memory_space<hbm>>
      tpu.wait_indirect_dma semaphore(%arg23 : memref<!tpu.dma_semaphore, #tpu.memory_space<semaphore_mem>>) src(%dma_wait3A_893 : memref<1000000x32xf32, #tpu.memory_space<hbm>>) dst(%dma_wait3A_887 : memref<128x32xf32, #tpu.memory_space<vmem>>)
      %dma_wait3A_894 = arith.constant 2 : i32
      %dma_wait3A_895 = arith.constant 256 : i32
      %dma_wait3A_896 = arith.constant 0 : i32
      %dma_wait3A_897 = tpu.memref_slice %arg17[%dma_wait3A_895, %dma_wait3A_896] : memref<512x32xf32, #tpu.memory_space<vmem>> -> memref<128x32xf32, #tpu.memory_space<vmem>>
      %dma_wait3A_898 = arith.constant 0 : i32
      %dma_wait3A_899 = tpu.memref_slice %arg11[%rem3A_118, %dma_wait3A_894, %dma_wait3A_898] : memref<2x8x128xi32, #tpu.memory_space<vmem>> -> memref<1x1x128xi32, #tpu.memory_space<vmem>>
      %dma_wait3A_900 = tpu.memref_squeeze %dma_wait3A_899 : memref<1x1x128xi32, #tpu.memory_space<vmem>> -> memref<128xi32, #tpu.memory_space<vmem>>
      %dma_wait3A_901 = arith.constant 0 : i32
      %dma_wait3A_902 = arith.constant 0 : i32
      %dma_wait3A_903 = tpu.memref_slice %arg3[%dma_wait3A_901, %dma_wait3A_902] : memref<100000x32xf32, #tpu.memory_space<hbm>> -> memref<100000x32xf32, #tpu.memory_space<hbm>>
      tpu.wait_indirect_dma semaphore(%arg23 : memref<!tpu.dma_semaphore, #tpu.memory_space<semaphore_mem>>) src(%dma_wait3A_903 : memref<100000x32xf32, #tpu.memory_space<hbm>>) dst(%dma_wait3A_897 : memref<128x32xf32, #tpu.memory_space<vmem>>)
      %dma_wait3A_904 = arith.constant 2 : i32
      %dma_wait3A_905 = arith.constant 256 : i32
      %dma_wait3A_906 = arith.constant 0 : i32
      %dma_wait3A_907 = tpu.memref_slice %arg18[%dma_wait3A_905, %dma_wait3A_906] : memref<512x32xf32, #tpu.memory_space<vmem>> -> memref<128x32xf32, #tpu.memory_space<vmem>>
      %dma_wait3A_908 = arith.constant 0 : i32
      %dma_wait3A_909 = tpu.memref_slice %arg12[%rem3A_118, %dma_wait3A_904, %dma_wait3A_908] : memref<2x8x128xi32, #tpu.memory_space<vmem>> -> memref<1x1x128xi32, #tpu.memory_space<vmem>>
      %dma_wait3A_910 = tpu.memref_squeeze %dma_wait3A_909 : memref<1x1x128xi32, #tpu.memory_space<vmem>> -> memref<128xi32, #tpu.memory_space<vmem>>
      %dma_wait3A_911 = arith.constant 0 : i32
      %dma_wait3A_912 = arith.constant 0 : i32
      %dma_wait3A_913 = tpu.memref_slice %arg4[%dma_wait3A_911, %dma_wait3A_912] : memref<1000x32xf32, #tpu.memory_space<hbm>> -> memref<1000x32xf32, #tpu.memory_space<hbm>>
      tpu.wait_indirect_dma semaphore(%arg23 : memref<!tpu.dma_semaphore, #tpu.memory_space<semaphore_mem>>) src(%dma_wait3A_913 : memref<1000x32xf32, #tpu.memory_space<hbm>>) dst(%dma_wait3A_907 : memref<128x32xf32, #tpu.memory_space<vmem>>)
      %dma_wait3A_914 = arith.constant 3 : i32
      %dma_wait3A_915 = arith.constant 384 : i32
      %dma_wait3A_916 = arith.constant 0 : i32
      %dma_wait3A_917 = tpu.memref_slice %arg16[%dma_wait3A_915, %dma_wait3A_916] : memref<512x32xf32, #tpu.memory_space<vmem>> -> memref<128x32xf32, #tpu.memory_space<vmem>>
      %dma_wait3A_918 = arith.constant 0 : i32
      %dma_wait3A_919 = tpu.memref_slice %arg10[%rem3A_118, %dma_wait3A_914, %dma_wait3A_918] : memref<2x8x128xi32, #tpu.memory_space<vmem>> -> memref<1x1x128xi32, #tpu.memory_space<vmem>>
      %dma_wait3A_920 = tpu.memref_squeeze %dma_wait3A_919 : memref<1x1x128xi32, #tpu.memory_space<vmem>> -> memref<128xi32, #tpu.memory_space<vmem>>
      %dma_wait3A_921 = arith.constant 0 : i32
      %dma_wait3A_922 = arith.constant 0 : i32
      %dma_wait3A_923 = tpu.memref_slice %arg2[%dma_wait3A_921, %dma_wait3A_922] : memref<1000000x32xf32, #tpu.memory_space<hbm>> -> memref<1000000x32xf32, #tpu.memory_space<hbm>>
      tpu.wait_indirect_dma semaphore(%arg23 : memref<!tpu.dma_semaphore, #tpu.memory_space<semaphore_mem>>) src(%dma_wait3A_923 : memref<1000000x32xf32, #tpu.memory_space<hbm>>) dst(%dma_wait3A_917 : memref<128x32xf32, #tpu.memory_space<vmem>>)
      %dma_wait3A_924 = arith.constant 3 : i32
      %dma_wait3A_925 = arith.constant 384 : i32
      %dma_wait3A_926 = arith.constant 0 : i32
      %dma_wait3A_927 = tpu.memref_slice %arg17[%dma_wait3A_925, %dma_wait3A_926] : memref<512x32xf32, #tpu.memory_space<vmem>> -> memref<128x32xf32, #tpu.memory_space<vmem>>
      %dma_wait3A_928 = arith.constant 0 : i32
      %dma_wait3A_929 = tpu.memref_slice %arg11[%rem3A_118, %dma_wait3A_924, %dma_wait3A_928] : memref<2x8x128xi32, #tpu.memory_space<vmem>> -> memref<1x1x128xi32, #tpu.memory_space<vmem>>
      %dma_wait3A_930 = tpu.memref_squeeze %dma_wait3A_929 : memref<1x1x128xi32, #tpu.memory_space<vmem>> -> memref<128xi32, #tpu.memory_space<vmem>>
      %dma_wait3A_931 = arith.constant 0 : i32
      %dma_wait3A_932 = arith.constant 0 : i32
      %dma_wait3A_933 = tpu.memref_slice %arg3[%dma_wait3A_931, %dma_wait3A_932] : memref<100000x32xf32, #tpu.memory_space<hbm>> -> memref<100000x32xf32, #tpu.memory_space<hbm>>
      tpu.wait_indirect_dma semaphore(%arg23 : memref<!tpu.dma_semaphore, #tpu.memory_space<semaphore_mem>>) src(%dma_wait3A_933 : memref<100000x32xf32, #tpu.memory_space<hbm>>) dst(%dma_wait3A_927 : memref<128x32xf32, #tpu.memory_space<vmem>>)
      %dma_wait3A_934 = arith.constant 3 : i32
      %dma_wait3A_935 = arith.constant 384 : i32
      %dma_wait3A_936 = arith.constant 0 : i32
      %dma_wait3A_937 = tpu.memref_slice %arg18[%dma_wait3A_935, %dma_wait3A_936] : memref<512x32xf32, #tpu.memory_space<vmem>> -> memref<128x32xf32, #tpu.memory_space<vmem>>
      %dma_wait3A_938 = arith.constant 0 : i32
      %dma_wait3A_939 = tpu.memref_slice %arg12[%rem3A_118, %dma_wait3A_934, %dma_wait3A_938] : memref<2x8x128xi32, #tpu.memory_space<vmem>> -> memref<1x1x128xi32, #tpu.memory_space<vmem>>
      %dma_wait3A_940 = tpu.memref_squeeze %dma_wait3A_939 : memref<1x1x128xi32, #tpu.memory_space<vmem>> -> memref<128xi32, #tpu.memory_space<vmem>>
      %dma_wait3A_941 = arith.constant 0 : i32
      %dma_wait3A_942 = arith.constant 0 : i32
      %dma_wait3A_943 = tpu.memref_slice %arg4[%dma_wait3A_941, %dma_wait3A_942] : memref<1000x32xf32, #tpu.memory_space<hbm>> -> memref<1000x32xf32, #tpu.memory_space<hbm>>
      tpu.wait_indirect_dma semaphore(%arg23 : memref<!tpu.dma_semaphore, #tpu.memory_space<semaphore_mem>>) src(%dma_wait3A_943 : memref<1000x32xf32, #tpu.memory_space<hbm>>) dst(%dma_wait3A_937 : memref<128x32xf32, #tpu.memory_space<vmem>>)
      %mul3A_944 = arith.constant 1024 : i32
      %mul3A_945 = arith.muli %add3A_116, %mul3A_944 : i32
      %add3A_946 = arith.addi %mul3A_2, %mul3A_945 : i32
      %add3A_947 = arith.constant 0 : i32
      %add3A_948 = arith.addi %add3A_946, %add3A_947 : i32
      %dma_start3A_949 = arith.constant 0 : i32
      %dma_start3A_950 = tpu.memref_slice %arg9[%add3A_948, %dma_start3A_949] : memref<819200x97xf32, #tpu.memory_space<hbm>> -> memref<512x32xf32, #tpu.memory_space<hbm>>
      %dma_start3A_951 = arith.constant 0 : i32
      %dma_start3A_952 = tpu.memref_slice %arg9[%add3A_948, %dma_start3A_951] : memref<819200x97xf32, #tpu.memory_space<hbm>> -> memref<512x32xf32, #tpu.memory_space<hbm>>
      tpu.enqueue_dma source(%arg16 : memref<512x32xf32, #tpu.memory_space<vmem>>) target(%dma_start3A_952 : memref<512x32xf32, #tpu.memory_space<hbm>>) target_semaphore(%arg24 : memref<!tpu.dma_semaphore, #tpu.memory_space<semaphore_mem>>)
      %dma_start3A_953 = arith.constant 32 : i32
      %dma_start3A_954 = tpu.memref_slice %arg9[%add3A_948, %dma_start3A_953] : memref<819200x97xf32, #tpu.memory_space<hbm>> -> memref<512x32xf32, #tpu.memory_space<hbm>>
      %dma_start3A_955 = arith.constant 32 : i32
      %dma_start3A_956 = tpu.memref_slice %arg9[%add3A_948, %dma_start3A_955] : memref<819200x97xf32, #tpu.memory_space<hbm>> -> memref<512x32xf32, #tpu.memory_space<hbm>>
      tpu.enqueue_dma source(%arg17 : memref<512x32xf32, #tpu.memory_space<vmem>>) target(%dma_start3A_956 : memref<512x32xf32, #tpu.memory_space<hbm>>) target_semaphore(%arg24 : memref<!tpu.dma_semaphore, #tpu.memory_space<semaphore_mem>>)
      %dma_start3A_957 = arith.constant 64 : i32
      %dma_start3A_958 = tpu.memref_slice %arg9[%add3A_948, %dma_start3A_957] : memref<819200x97xf32, #tpu.memory_space<hbm>> -> memref<512x32xf32, #tpu.memory_space<hbm>>
      %dma_start3A_959 = arith.constant 64 : i32
      %dma_start3A_960 = tpu.memref_slice %arg9[%add3A_948, %dma_start3A_959] : memref<819200x97xf32, #tpu.memory_space<hbm>> -> memref<512x32xf32, #tpu.memory_space<hbm>>
      tpu.enqueue_dma source(%arg18 : memref<512x32xf32, #tpu.memory_space<vmem>>) target(%dma_start3A_960 : memref<512x32xf32, #tpu.memory_space<hbm>>) target_semaphore(%arg24 : memref<!tpu.dma_semaphore, #tpu.memory_space<semaphore_mem>>)
      %dma_start3A_961 = arith.constant 96 : i32
      %dma_start3A_962 = tpu.memref_slice %arg9[%add3A_948, %dma_start3A_961] : memref<819200x97xf32, #tpu.memory_space<hbm>> -> memref<512x1xf32, #tpu.memory_space<hbm>>
      %dma_start3A_963 = arith.constant 96 : i32
      %dma_start3A_964 = tpu.memref_slice %arg9[%add3A_948, %dma_start3A_963] : memref<819200x97xf32, #tpu.memory_space<hbm>> -> memref<512x1xf32, #tpu.memory_space<hbm>>
      tpu.enqueue_dma source(%arg14 : memref<512x1xf32, #tpu.memory_space<vmem>>) target(%dma_start3A_964 : memref<512x1xf32, #tpu.memory_space<hbm>>) target_semaphore(%arg24 : memref<!tpu.dma_semaphore, #tpu.memory_space<semaphore_mem>>)
      %dma_wait3A_965 = arith.constant 4 : i32
      %dma_wait3A_966 = arith.constant 0 : i32
      %dma_wait3A_967 = arith.constant 0 : i32
      %dma_wait3A_968 = tpu.memref_slice %arg19[%dma_wait3A_966, %dma_wait3A_967] : memref<512x32xf32, #tpu.memory_space<vmem>> -> memref<128x32xf32, #tpu.memory_space<vmem>>
      %dma_wait3A_969 = arith.constant 0 : i32
      %dma_wait3A_970 = tpu.memref_slice %arg10[%rem3A_118, %dma_wait3A_965, %dma_wait3A_969] : memref<2x8x128xi32, #tpu.memory_space<vmem>> -> memref<1x1x128xi32, #tpu.memory_space<vmem>>
      %dma_wait3A_971 = tpu.memref_squeeze %dma_wait3A_970 : memref<1x1x128xi32, #tpu.memory_space<vmem>> -> memref<128xi32, #tpu.memory_space<vmem>>
      %dma_wait3A_972 = arith.constant 0 : i32
      %dma_wait3A_973 = arith.constant 0 : i32
      %dma_wait3A_974 = tpu.memref_slice %arg2[%dma_wait3A_972, %dma_wait3A_973] : memref<1000000x32xf32, #tpu.memory_space<hbm>> -> memref<1000000x32xf32, #tpu.memory_space<hbm>>
      tpu.wait_indirect_dma semaphore(%arg23 : memref<!tpu.dma_semaphore, #tpu.memory_space<semaphore_mem>>) src(%dma_wait3A_974 : memref<1000000x32xf32, #tpu.memory_space<hbm>>) dst(%dma_wait3A_968 : memref<128x32xf32, #tpu.memory_space<vmem>>)
      %dma_wait3A_975 = arith.constant 4 : i32
      %dma_wait3A_976 = arith.constant 0 : i32
      %dma_wait3A_977 = arith.constant 0 : i32
      %dma_wait3A_978 = tpu.memref_slice %arg20[%dma_wait3A_976, %dma_wait3A_977] : memref<512x32xf32, #tpu.memory_space<vmem>> -> memref<128x32xf32, #tpu.memory_space<vmem>>
      %dma_wait3A_979 = arith.constant 0 : i32
      %dma_wait3A_980 = tpu.memref_slice %arg11[%rem3A_118, %dma_wait3A_975, %dma_wait3A_979] : memref<2x8x128xi32, #tpu.memory_space<vmem>> -> memref<1x1x128xi32, #tpu.memory_space<vmem>>
      %dma_wait3A_981 = tpu.memref_squeeze %dma_wait3A_980 : memref<1x1x128xi32, #tpu.memory_space<vmem>> -> memref<128xi32, #tpu.memory_space<vmem>>
      %dma_wait3A_982 = arith.constant 0 : i32
      %dma_wait3A_983 = arith.constant 0 : i32
      %dma_wait3A_984 = tpu.memref_slice %arg3[%dma_wait3A_982, %dma_wait3A_983] : memref<100000x32xf32, #tpu.memory_space<hbm>> -> memref<100000x32xf32, #tpu.memory_space<hbm>>
      tpu.wait_indirect_dma semaphore(%arg23 : memref<!tpu.dma_semaphore, #tpu.memory_space<semaphore_mem>>) src(%dma_wait3A_984 : memref<100000x32xf32, #tpu.memory_space<hbm>>) dst(%dma_wait3A_978 : memref<128x32xf32, #tpu.memory_space<vmem>>)
      %dma_wait3A_985 = arith.constant 4 : i32
      %dma_wait3A_986 = arith.constant 0 : i32
      %dma_wait3A_987 = arith.constant 0 : i32
      %dma_wait3A_988 = tpu.memref_slice %arg21[%dma_wait3A_986, %dma_wait3A_987] : memref<512x32xf32, #tpu.memory_space<vmem>> -> memref<128x32xf32, #tpu.memory_space<vmem>>
      %dma_wait3A_989 = arith.constant 0 : i32
      %dma_wait3A_990 = tpu.memref_slice %arg12[%rem3A_118, %dma_wait3A_985, %dma_wait3A_989] : memref<2x8x128xi32, #tpu.memory_space<vmem>> -> memref<1x1x128xi32, #tpu.memory_space<vmem>>
      %dma_wait3A_991 = tpu.memref_squeeze %dma_wait3A_990 : memref<1x1x128xi32, #tpu.memory_space<vmem>> -> memref<128xi32, #tpu.memory_space<vmem>>
      %dma_wait3A_992 = arith.constant 0 : i32
      %dma_wait3A_993 = arith.constant 0 : i32
      %dma_wait3A_994 = tpu.memref_slice %arg4[%dma_wait3A_992, %dma_wait3A_993] : memref<1000x32xf32, #tpu.memory_space<hbm>> -> memref<1000x32xf32, #tpu.memory_space<hbm>>
      tpu.wait_indirect_dma semaphore(%arg23 : memref<!tpu.dma_semaphore, #tpu.memory_space<semaphore_mem>>) src(%dma_wait3A_994 : memref<1000x32xf32, #tpu.memory_space<hbm>>) dst(%dma_wait3A_988 : memref<128x32xf32, #tpu.memory_space<vmem>>)
      %dma_wait3A_995 = arith.constant 5 : i32
      %dma_wait3A_996 = arith.constant 128 : i32
      %dma_wait3A_997 = arith.constant 0 : i32
      %dma_wait3A_998 = tpu.memref_slice %arg19[%dma_wait3A_996, %dma_wait3A_997] : memref<512x32xf32, #tpu.memory_space<vmem>> -> memref<128x32xf32, #tpu.memory_space<vmem>>
      %dma_wait3A_999 = arith.constant 0 : i32
      %dma_wait3A_1000 = tpu.memref_slice %arg10[%rem3A_118, %dma_wait3A_995, %dma_wait3A_999] : memref<2x8x128xi32, #tpu.memory_space<vmem>> -> memref<1x1x128xi32, #tpu.memory_space<vmem>>
      %dma_wait3A_1001 = tpu.memref_squeeze %dma_wait3A_1000 : memref<1x1x128xi32, #tpu.memory_space<vmem>> -> memref<128xi32, #tpu.memory_space<vmem>>
      %dma_wait3A_1002 = arith.constant 0 : i32
      %dma_wait3A_1003 = arith.constant 0 : i32
      %dma_wait3A_1004 = tpu.memref_slice %arg2[%dma_wait3A_1002, %dma_wait3A_1003] : memref<1000000x32xf32, #tpu.memory_space<hbm>> -> memref<1000000x32xf32, #tpu.memory_space<hbm>>
      tpu.wait_indirect_dma semaphore(%arg23 : memref<!tpu.dma_semaphore, #tpu.memory_space<semaphore_mem>>) src(%dma_wait3A_1004 : memref<1000000x32xf32, #tpu.memory_space<hbm>>) dst(%dma_wait3A_998 : memref<128x32xf32, #tpu.memory_space<vmem>>)
      %dma_wait3A_1005 = arith.constant 5 : i32
      %dma_wait3A_1006 = arith.constant 128 : i32
      %dma_wait3A_1007 = arith.constant 0 : i32
      %dma_wait3A_1008 = tpu.memref_slice %arg20[%dma_wait3A_1006, %dma_wait3A_1007] : memref<512x32xf32, #tpu.memory_space<vmem>> -> memref<128x32xf32, #tpu.memory_space<vmem>>
      %dma_wait3A_1009 = arith.constant 0 : i32
      %dma_wait3A_1010 = tpu.memref_slice %arg11[%rem3A_118, %dma_wait3A_1005, %dma_wait3A_1009] : memref<2x8x128xi32, #tpu.memory_space<vmem>> -> memref<1x1x128xi32, #tpu.memory_space<vmem>>
      %dma_wait3A_1011 = tpu.memref_squeeze %dma_wait3A_1010 : memref<1x1x128xi32, #tpu.memory_space<vmem>> -> memref<128xi32, #tpu.memory_space<vmem>>
      %dma_wait3A_1012 = arith.constant 0 : i32
      %dma_wait3A_1013 = arith.constant 0 : i32
      %dma_wait3A_1014 = tpu.memref_slice %arg3[%dma_wait3A_1012, %dma_wait3A_1013] : memref<100000x32xf32, #tpu.memory_space<hbm>> -> memref<100000x32xf32, #tpu.memory_space<hbm>>
      tpu.wait_indirect_dma semaphore(%arg23 : memref<!tpu.dma_semaphore, #tpu.memory_space<semaphore_mem>>) src(%dma_wait3A_1014 : memref<100000x32xf32, #tpu.memory_space<hbm>>) dst(%dma_wait3A_1008 : memref<128x32xf32, #tpu.memory_space<vmem>>)
      %dma_wait3A_1015 = arith.constant 5 : i32
      %dma_wait3A_1016 = arith.constant 128 : i32
      %dma_wait3A_1017 = arith.constant 0 : i32
      %dma_wait3A_1018 = tpu.memref_slice %arg21[%dma_wait3A_1016, %dma_wait3A_1017] : memref<512x32xf32, #tpu.memory_space<vmem>> -> memref<128x32xf32, #tpu.memory_space<vmem>>
      %dma_wait3A_1019 = arith.constant 0 : i32
      %dma_wait3A_1020 = tpu.memref_slice %arg12[%rem3A_118, %dma_wait3A_1015, %dma_wait3A_1019] : memref<2x8x128xi32, #tpu.memory_space<vmem>> -> memref<1x1x128xi32, #tpu.memory_space<vmem>>
      %dma_wait3A_1021 = tpu.memref_squeeze %dma_wait3A_1020 : memref<1x1x128xi32, #tpu.memory_space<vmem>> -> memref<128xi32, #tpu.memory_space<vmem>>
      %dma_wait3A_1022 = arith.constant 0 : i32
      %dma_wait3A_1023 = arith.constant 0 : i32
      %dma_wait3A_1024 = tpu.memref_slice %arg4[%dma_wait3A_1022, %dma_wait3A_1023] : memref<1000x32xf32, #tpu.memory_space<hbm>> -> memref<1000x32xf32, #tpu.memory_space<hbm>>
      tpu.wait_indirect_dma semaphore(%arg23 : memref<!tpu.dma_semaphore, #tpu.memory_space<semaphore_mem>>) src(%dma_wait3A_1024 : memref<1000x32xf32, #tpu.memory_space<hbm>>) dst(%dma_wait3A_1018 : memref<128x32xf32, #tpu.memory_space<vmem>>)
      %dma_wait3A_1025 = arith.constant 6 : i32
      %dma_wait3A_1026 = arith.constant 256 : i32
      %dma_wait3A_1027 = arith.constant 0 : i32
      %dma_wait3A_1028 = tpu.memref_slice %arg19[%dma_wait3A_1026, %dma_wait3A_1027] : memref<512x32xf32, #tpu.memory_space<vmem>> -> memref<128x32xf32, #tpu.memory_space<vmem>>
      %dma_wait3A_1029 = arith.constant 0 : i32
      %dma_wait3A_1030 = tpu.memref_slice %arg10[%rem3A_118, %dma_wait3A_1025, %dma_wait3A_1029] : memref<2x8x128xi32, #tpu.memory_space<vmem>> -> memref<1x1x128xi32, #tpu.memory_space<vmem>>
      %dma_wait3A_1031 = tpu.memref_squeeze %dma_wait3A_1030 : memref<1x1x128xi32, #tpu.memory_space<vmem>> -> memref<128xi32, #tpu.memory_space<vmem>>
      %dma_wait3A_1032 = arith.constant 0 : i32
      %dma_wait3A_1033 = arith.constant 0 : i32
      %dma_wait3A_1034 = tpu.memref_slice %arg2[%dma_wait3A_1032, %dma_wait3A_1033] : memref<1000000x32xf32, #tpu.memory_space<hbm>> -> memref<1000000x32xf32, #tpu.memory_space<hbm>>
      tpu.wait_indirect_dma semaphore(%arg23 : memref<!tpu.dma_semaphore, #tpu.memory_space<semaphore_mem>>) src(%dma_wait3A_1034 : memref<1000000x32xf32, #tpu.memory_space<hbm>>) dst(%dma_wait3A_1028 : memref<128x32xf32, #tpu.memory_space<vmem>>)
      %dma_wait3A_1035 = arith.constant 6 : i32
      %dma_wait3A_1036 = arith.constant 256 : i32
      %dma_wait3A_1037 = arith.constant 0 : i32
      %dma_wait3A_1038 = tpu.memref_slice %arg20[%dma_wait3A_1036, %dma_wait3A_1037] : memref<512x32xf32, #tpu.memory_space<vmem>> -> memref<128x32xf32, #tpu.memory_space<vmem>>
      %dma_wait3A_1039 = arith.constant 0 : i32
      %dma_wait3A_1040 = tpu.memref_slice %arg11[%rem3A_118, %dma_wait3A_1035, %dma_wait3A_1039] : memref<2x8x128xi32, #tpu.memory_space<vmem>> -> memref<1x1x128xi32, #tpu.memory_space<vmem>>
      %dma_wait3A_1041 = tpu.memref_squeeze %dma_wait3A_1040 : memref<1x1x128xi32, #tpu.memory_space<vmem>> -> memref<128xi32, #tpu.memory_space<vmem>>
      %dma_wait3A_1042 = arith.constant 0 : i32
      %dma_wait3A_1043 = arith.constant 0 : i32
      %dma_wait3A_1044 = tpu.memref_slice %arg3[%dma_wait3A_1042, %dma_wait3A_1043] : memref<100000x32xf32, #tpu.memory_space<hbm>> -> memref<100000x32xf32, #tpu.memory_space<hbm>>
      tpu.wait_indirect_dma semaphore(%arg23 : memref<!tpu.dma_semaphore, #tpu.memory_space<semaphore_mem>>) src(%dma_wait3A_1044 : memref<100000x32xf32, #tpu.memory_space<hbm>>) dst(%dma_wait3A_1038 : memref<128x32xf32, #tpu.memory_space<vmem>>)
      %dma_wait3A_1045 = arith.constant 6 : i32
      %dma_wait3A_1046 = arith.constant 256 : i32
      %dma_wait3A_1047 = arith.constant 0 : i32
      %dma_wait3A_1048 = tpu.memref_slice %arg21[%dma_wait3A_1046, %dma_wait3A_1047] : memref<512x32xf32, #tpu.memory_space<vmem>> -> memref<128x32xf32, #tpu.memory_space<vmem>>
      %dma_wait3A_1049 = arith.constant 0 : i32
      %dma_wait3A_1050 = tpu.memref_slice %arg12[%rem3A_118, %dma_wait3A_1045, %dma_wait3A_1049] : memref<2x8x128xi32, #tpu.memory_space<vmem>> -> memref<1x1x128xi32, #tpu.memory_space<vmem>>
      %dma_wait3A_1051 = tpu.memref_squeeze %dma_wait3A_1050 : memref<1x1x128xi32, #tpu.memory_space<vmem>> -> memref<128xi32, #tpu.memory_space<vmem>>
      %dma_wait3A_1052 = arith.constant 0 : i32
      %dma_wait3A_1053 = arith.constant 0 : i32
      %dma_wait3A_1054 = tpu.memref_slice %arg4[%dma_wait3A_1052, %dma_wait3A_1053] : memref<1000x32xf32, #tpu.memory_space<hbm>> -> memref<1000x32xf32, #tpu.memory_space<hbm>>
      tpu.wait_indirect_dma semaphore(%arg23 : memref<!tpu.dma_semaphore, #tpu.memory_space<semaphore_mem>>) src(%dma_wait3A_1054 : memref<1000x32xf32, #tpu.memory_space<hbm>>) dst(%dma_wait3A_1048 : memref<128x32xf32, #tpu.memory_space<vmem>>)
      %dma_wait3A_1055 = arith.constant 7 : i32
      %dma_wait3A_1056 = arith.constant 384 : i32
      %dma_wait3A_1057 = arith.constant 0 : i32
      %dma_wait3A_1058 = tpu.memref_slice %arg19[%dma_wait3A_1056, %dma_wait3A_1057] : memref<512x32xf32, #tpu.memory_space<vmem>> -> memref<128x32xf32, #tpu.memory_space<vmem>>
      %dma_wait3A_1059 = arith.constant 0 : i32
      %dma_wait3A_1060 = tpu.memref_slice %arg10[%rem3A_118, %dma_wait3A_1055, %dma_wait3A_1059] : memref<2x8x128xi32, #tpu.memory_space<vmem>> -> memref<1x1x128xi32, #tpu.memory_space<vmem>>
      %dma_wait3A_1061 = tpu.memref_squeeze %dma_wait3A_1060 : memref<1x1x128xi32, #tpu.memory_space<vmem>> -> memref<128xi32, #tpu.memory_space<vmem>>
      %dma_wait3A_1062 = arith.constant 0 : i32
      %dma_wait3A_1063 = arith.constant 0 : i32
      %dma_wait3A_1064 = tpu.memref_slice %arg2[%dma_wait3A_1062, %dma_wait3A_1063] : memref<1000000x32xf32, #tpu.memory_space<hbm>> -> memref<1000000x32xf32, #tpu.memory_space<hbm>>
      tpu.wait_indirect_dma semaphore(%arg23 : memref<!tpu.dma_semaphore, #tpu.memory_space<semaphore_mem>>) src(%dma_wait3A_1064 : memref<1000000x32xf32, #tpu.memory_space<hbm>>) dst(%dma_wait3A_1058 : memref<128x32xf32, #tpu.memory_space<vmem>>)
      %dma_wait3A_1065 = arith.constant 7 : i32
      %dma_wait3A_1066 = arith.constant 384 : i32
      %dma_wait3A_1067 = arith.constant 0 : i32
      %dma_wait3A_1068 = tpu.memref_slice %arg20[%dma_wait3A_1066, %dma_wait3A_1067] : memref<512x32xf32, #tpu.memory_space<vmem>> -> memref<128x32xf32, #tpu.memory_space<vmem>>
      %dma_wait3A_1069 = arith.constant 0 : i32
      %dma_wait3A_1070 = tpu.memref_slice %arg11[%rem3A_118, %dma_wait3A_1065, %dma_wait3A_1069] : memref<2x8x128xi32, #tpu.memory_space<vmem>> -> memref<1x1x128xi32, #tpu.memory_space<vmem>>
      %dma_wait3A_1071 = tpu.memref_squeeze %dma_wait3A_1070 : memref<1x1x128xi32, #tpu.memory_space<vmem>> -> memref<128xi32, #tpu.memory_space<vmem>>
      %dma_wait3A_1072 = arith.constant 0 : i32
      %dma_wait3A_1073 = arith.constant 0 : i32
      %dma_wait3A_1074 = tpu.memref_slice %arg3[%dma_wait3A_1072, %dma_wait3A_1073] : memref<100000x32xf32, #tpu.memory_space<hbm>> -> memref<100000x32xf32, #tpu.memory_space<hbm>>
      tpu.wait_indirect_dma semaphore(%arg23 : memref<!tpu.dma_semaphore, #tpu.memory_space<semaphore_mem>>) src(%dma_wait3A_1074 : memref<100000x32xf32, #tpu.memory_space<hbm>>) dst(%dma_wait3A_1068 : memref<128x32xf32, #tpu.memory_space<vmem>>)
      %dma_wait3A_1075 = arith.constant 7 : i32
      %dma_wait3A_1076 = arith.constant 384 : i32
      %dma_wait3A_1077 = arith.constant 0 : i32
      %dma_wait3A_1078 = tpu.memref_slice %arg21[%dma_wait3A_1076, %dma_wait3A_1077] : memref<512x32xf32, #tpu.memory_space<vmem>> -> memref<128x32xf32, #tpu.memory_space<vmem>>
      %dma_wait3A_1079 = arith.constant 0 : i32
      %dma_wait3A_1080 = tpu.memref_slice %arg12[%rem3A_118, %dma_wait3A_1075, %dma_wait3A_1079] : memref<2x8x128xi32, #tpu.memory_space<vmem>> -> memref<1x1x128xi32, #tpu.memory_space<vmem>>
      %dma_wait3A_1081 = tpu.memref_squeeze %dma_wait3A_1080 : memref<1x1x128xi32, #tpu.memory_space<vmem>> -> memref<128xi32, #tpu.memory_space<vmem>>
      %dma_wait3A_1082 = arith.constant 0 : i32
      %dma_wait3A_1083 = arith.constant 0 : i32
      %dma_wait3A_1084 = tpu.memref_slice %arg4[%dma_wait3A_1082, %dma_wait3A_1083] : memref<1000x32xf32, #tpu.memory_space<hbm>> -> memref<1000x32xf32, #tpu.memory_space<hbm>>
      tpu.wait_indirect_dma semaphore(%arg23 : memref<!tpu.dma_semaphore, #tpu.memory_space<semaphore_mem>>) src(%dma_wait3A_1084 : memref<1000x32xf32, #tpu.memory_space<hbm>>) dst(%dma_wait3A_1078 : memref<128x32xf32, #tpu.memory_space<vmem>>)
      %mul3A_1085 = arith.constant 1024 : i32
      %mul3A_1086 = arith.muli %add3A_116, %mul3A_1085 : i32
      %add3A_1087 = arith.addi %mul3A_2, %mul3A_1086 : i32
      %add3A_1088 = arith.constant 512 : i32
      %add3A_1089 = arith.addi %add3A_1087, %add3A_1088 : i32
      %dma_start3A_1090 = arith.constant 0 : i32
      %dma_start3A_1091 = tpu.memref_slice %arg9[%add3A_1089, %dma_start3A_1090] : memref<819200x97xf32, #tpu.memory_space<hbm>> -> memref<512x32xf32, #tpu.memory_space<hbm>>
      %dma_start3A_1092 = arith.constant 0 : i32
      %dma_start3A_1093 = tpu.memref_slice %arg9[%add3A_1089, %dma_start3A_1092] : memref<819200x97xf32, #tpu.memory_space<hbm>> -> memref<512x32xf32, #tpu.memory_space<hbm>>
      tpu.enqueue_dma source(%arg19 : memref<512x32xf32, #tpu.memory_space<vmem>>) target(%dma_start3A_1093 : memref<512x32xf32, #tpu.memory_space<hbm>>) target_semaphore(%arg24 : memref<!tpu.dma_semaphore, #tpu.memory_space<semaphore_mem>>)
      %dma_start3A_1094 = arith.constant 32 : i32
      %dma_start3A_1095 = tpu.memref_slice %arg9[%add3A_1089, %dma_start3A_1094] : memref<819200x97xf32, #tpu.memory_space<hbm>> -> memref<512x32xf32, #tpu.memory_space<hbm>>
      %dma_start3A_1096 = arith.constant 32 : i32
      %dma_start3A_1097 = tpu.memref_slice %arg9[%add3A_1089, %dma_start3A_1096] : memref<819200x97xf32, #tpu.memory_space<hbm>> -> memref<512x32xf32, #tpu.memory_space<hbm>>
      tpu.enqueue_dma source(%arg20 : memref<512x32xf32, #tpu.memory_space<vmem>>) target(%dma_start3A_1097 : memref<512x32xf32, #tpu.memory_space<hbm>>) target_semaphore(%arg24 : memref<!tpu.dma_semaphore, #tpu.memory_space<semaphore_mem>>)
      %dma_start3A_1098 = arith.constant 64 : i32
      %dma_start3A_1099 = tpu.memref_slice %arg9[%add3A_1089, %dma_start3A_1098] : memref<819200x97xf32, #tpu.memory_space<hbm>> -> memref<512x32xf32, #tpu.memory_space<hbm>>
      %dma_start3A_1100 = arith.constant 64 : i32
      %dma_start3A_1101 = tpu.memref_slice %arg9[%add3A_1089, %dma_start3A_1100] : memref<819200x97xf32, #tpu.memory_space<hbm>> -> memref<512x32xf32, #tpu.memory_space<hbm>>
      tpu.enqueue_dma source(%arg21 : memref<512x32xf32, #tpu.memory_space<vmem>>) target(%dma_start3A_1101 : memref<512x32xf32, #tpu.memory_space<hbm>>) target_semaphore(%arg24 : memref<!tpu.dma_semaphore, #tpu.memory_space<semaphore_mem>>)
      %dma_start3A_1102 = arith.constant 96 : i32
      %dma_start3A_1103 = tpu.memref_slice %arg9[%add3A_1089, %dma_start3A_1102] : memref<819200x97xf32, #tpu.memory_space<hbm>> -> memref<512x1xf32, #tpu.memory_space<hbm>>
      %dma_start3A_1104 = arith.constant 96 : i32
      %dma_start3A_1105 = tpu.memref_slice %arg9[%add3A_1089, %dma_start3A_1104] : memref<819200x97xf32, #tpu.memory_space<hbm>> -> memref<512x1xf32, #tpu.memory_space<hbm>>
      tpu.enqueue_dma source(%arg15 : memref<512x1xf32, #tpu.memory_space<vmem>>) target(%dma_start3A_1105 : memref<512x1xf32, #tpu.memory_space<hbm>>) target_semaphore(%arg24 : memref<!tpu.dma_semaphore, #tpu.memory_space<semaphore_mem>>)
    }
    %scan3A_72 = arith.constant 25 : i32
    %add3A_73 = arith.constant 24576 : i32
    %add3A_74 = arith.addi %mul3A_2, %add3A_73 : i32
    %add3A_75 = arith.constant 0 : i32
    %add3A_76 = arith.addi %add3A_74, %add3A_75 : i32
    %dma_wait3A = arith.constant 0 : i32
    %dma_wait3A_77 = tpu.memref_slice %arg9[%add3A_76, %dma_wait3A] : memref<819200x97xf32, #tpu.memory_space<hbm>> -> memref<512x32xf32, #tpu.memory_space<hbm>>
    %dma_wait3A_78 = arith.constant 0 : i32
    %dma_wait3A_79 = tpu.memref_slice %arg9[%add3A_76, %dma_wait3A_78] : memref<819200x97xf32, #tpu.memory_space<hbm>> -> memref<512x32xf32, #tpu.memory_space<hbm>>
    tpu.wait_dma2 semaphore(%arg24 : memref<!tpu.dma_semaphore, #tpu.memory_space<semaphore_mem>>) src(%arg16 : memref<512x32xf32, #tpu.memory_space<vmem>>) dst(%dma_wait3A_79 : memref<512x32xf32, #tpu.memory_space<hbm>>)
    %dma_wait3A_80 = arith.constant 32 : i32
    %dma_wait3A_81 = tpu.memref_slice %arg9[%add3A_76, %dma_wait3A_80] : memref<819200x97xf32, #tpu.memory_space<hbm>> -> memref<512x32xf32, #tpu.memory_space<hbm>>
    %dma_wait3A_82 = arith.constant 32 : i32
    %dma_wait3A_83 = tpu.memref_slice %arg9[%add3A_76, %dma_wait3A_82] : memref<819200x97xf32, #tpu.memory_space<hbm>> -> memref<512x32xf32, #tpu.memory_space<hbm>>
    tpu.wait_dma2 semaphore(%arg24 : memref<!tpu.dma_semaphore, #tpu.memory_space<semaphore_mem>>) src(%arg17 : memref<512x32xf32, #tpu.memory_space<vmem>>) dst(%dma_wait3A_83 : memref<512x32xf32, #tpu.memory_space<hbm>>)
    %dma_wait3A_84 = arith.constant 64 : i32
    %dma_wait3A_85 = tpu.memref_slice %arg9[%add3A_76, %dma_wait3A_84] : memref<819200x97xf32, #tpu.memory_space<hbm>> -> memref<512x32xf32, #tpu.memory_space<hbm>>
    %dma_wait3A_86 = arith.constant 64 : i32
    %dma_wait3A_87 = tpu.memref_slice %arg9[%add3A_76, %dma_wait3A_86] : memref<819200x97xf32, #tpu.memory_space<hbm>> -> memref<512x32xf32, #tpu.memory_space<hbm>>
    tpu.wait_dma2 semaphore(%arg24 : memref<!tpu.dma_semaphore, #tpu.memory_space<semaphore_mem>>) src(%arg18 : memref<512x32xf32, #tpu.memory_space<vmem>>) dst(%dma_wait3A_87 : memref<512x32xf32, #tpu.memory_space<hbm>>)
    %dma_wait3A_88 = arith.constant 96 : i32
    %dma_wait3A_89 = tpu.memref_slice %arg9[%add3A_76, %dma_wait3A_88] : memref<819200x97xf32, #tpu.memory_space<hbm>> -> memref<512x1xf32, #tpu.memory_space<hbm>>
    %dma_wait3A_90 = arith.constant 96 : i32
    %dma_wait3A_91 = tpu.memref_slice %arg9[%add3A_76, %dma_wait3A_90] : memref<819200x97xf32, #tpu.memory_space<hbm>> -> memref<512x1xf32, #tpu.memory_space<hbm>>
    tpu.wait_dma2 semaphore(%arg24 : memref<!tpu.dma_semaphore, #tpu.memory_space<semaphore_mem>>) src(%arg14 : memref<512x1xf32, #tpu.memory_space<vmem>>) dst(%dma_wait3A_91 : memref<512x1xf32, #tpu.memory_space<hbm>>)
    %add3A_92 = arith.constant 24576 : i32
    %add3A_93 = arith.addi %mul3A_2, %add3A_92 : i32
    %add3A_94 = arith.constant 512 : i32
    %add3A_95 = arith.addi %add3A_93, %add3A_94 : i32
    %dma_wait3A_96 = arith.constant 0 : i32
    %dma_wait3A_97 = tpu.memref_slice %arg9[%add3A_95, %dma_wait3A_96] : memref<819200x97xf32, #tpu.memory_space<hbm>> -> memref<512x32xf32, #tpu.memory_space<hbm>>
    %dma_wait3A_98 = arith.constant 0 : i32
    %dma_wait3A_99 = tpu.memref_slice %arg9[%add3A_95, %dma_wait3A_98] : memref<819200x97xf32, #tpu.memory_space<hbm>> -> memref<512x32xf32, #tpu.memory_space<hbm>>
    tpu.wait_dma2 semaphore(%arg24 : memref<!tpu.dma_semaphore, #tpu.memory_space<semaphore_mem>>) src(%arg19 : memref<512x32xf32, #tpu.memory_space<vmem>>) dst(%dma_wait3A_99 : memref<512x32xf32, #tpu.memory_space<hbm>>)
    %dma_wait3A_100 = arith.constant 32 : i32
    %dma_wait3A_101 = tpu.memref_slice %arg9[%add3A_95, %dma_wait3A_100] : memref<819200x97xf32, #tpu.memory_space<hbm>> -> memref<512x32xf32, #tpu.memory_space<hbm>>
    %dma_wait3A_102 = arith.constant 32 : i32
    %dma_wait3A_103 = tpu.memref_slice %arg9[%add3A_95, %dma_wait3A_102] : memref<819200x97xf32, #tpu.memory_space<hbm>> -> memref<512x32xf32, #tpu.memory_space<hbm>>
    tpu.wait_dma2 semaphore(%arg24 : memref<!tpu.dma_semaphore, #tpu.memory_space<semaphore_mem>>) src(%arg20 : memref<512x32xf32, #tpu.memory_space<vmem>>) dst(%dma_wait3A_103 : memref<512x32xf32, #tpu.memory_space<hbm>>)
    %dma_wait3A_104 = arith.constant 64 : i32
    %dma_wait3A_105 = tpu.memref_slice %arg9[%add3A_95, %dma_wait3A_104] : memref<819200x97xf32, #tpu.memory_space<hbm>> -> memref<512x32xf32, #tpu.memory_space<hbm>>
    %dma_wait3A_106 = arith.constant 64 : i32
    %dma_wait3A_107 = tpu.memref_slice %arg9[%add3A_95, %dma_wait3A_106] : memref<819200x97xf32, #tpu.memory_space<hbm>> -> memref<512x32xf32, #tpu.memory_space<hbm>>
    tpu.wait_dma2 semaphore(%arg24 : memref<!tpu.dma_semaphore, #tpu.memory_space<semaphore_mem>>) src(%arg21 : memref<512x32xf32, #tpu.memory_space<vmem>>) dst(%dma_wait3A_107 : memref<512x32xf32, #tpu.memory_space<hbm>>)
    %dma_wait3A_108 = arith.constant 96 : i32
    %dma_wait3A_109 = tpu.memref_slice %arg9[%add3A_95, %dma_wait3A_108] : memref<819200x97xf32, #tpu.memory_space<hbm>> -> memref<512x1xf32, #tpu.memory_space<hbm>>
    %dma_wait3A_110 = arith.constant 96 : i32
    %dma_wait3A_111 = tpu.memref_slice %arg9[%add3A_95, %dma_wait3A_110] : memref<819200x97xf32, #tpu.memory_space<hbm>> -> memref<512x1xf32, #tpu.memory_space<hbm>>
    tpu.wait_dma2 semaphore(%arg24 : memref<!tpu.dma_semaphore, #tpu.memory_space<semaphore_mem>>) src(%arg15 : memref<512x1xf32, #tpu.memory_space<vmem>>) dst(%dma_wait3A_111 : memref<512x1xf32, #tpu.memory_space<hbm>>)
    return
  }
}

</mosaic_0001>

<sc_bundles>
// kernel: _sc_lookup.3.cloned.1.call-start
scs
__scs_entry_jumppad:
0x0: {  	(pc) =	sbr.rel $0x88, $3  }
0x1: {  	(tag) =	ssettag $0x0;
	lr =	simm.s32 $0x1  }
0x2: {  	[smem:$0x3F9A] =	sst lr;
	_ =	strace $0xD0000000  }
0x3: {  	_ = 	snop  }
0x4: {  	_ = 	snop  }
0x5: {  	_ = 	snop  }
0x6: {  	_ = 	snop  }
0x7: {  	_ = 	snop  }
__scs_overlays_trampoline_lowered:
0x8: {  	[smem:$0x3FA9] =	sst s0  }
0x9: {  	[smem:$0x3FAA] =	sst s1  }
0xa: {  	[smem:$0x3FAB] =	sst s2  }
0xb: {  	[smem:$0x3FAC] =	sst s3  }
0xc: {  	[smem:$0x3FAD] =	sst s4  }
0xd: {  	[smem:$0x3FAE] =	sst s5  }
0xe: {  	[smem:$0x3FAF] =	sst s6  }
0xf: {  	[smem:$0x3FB0] =	sst s7  }
0x10: {  	[smem:$0x3FB1] =	sst s8  }
0x11: {  	[smem:$0x3FB2] =	sst s9;
	s0 =	simm.s32 @!p0 $0x0  }
0x12: {  	s1 =	sld [smem:$0x3F98];
	s0 =	simm.s32 @p0 $0x1  }
0x13: {  	[smem:$0x3FB3] =	sst s0;
	s0 =	simm.s32 @!p1 $0x0  }
0x14: {  	s2 =	sld [smem:$0x3F97];
	s0 =	simm.s32 @p1 $0x1  }
0x15: {  	[smem:$0x3FB4] =	sst s0;
	s0 =	simm.s32 @!p2 $0x0  }
0x16: {  	s3 =	sld [smem:$0x3FDB];
	s0 =	simm.s32 @p2 $0x1  }
0x17: {  	s4 =	simm.s32 $0x1BF5;
	[smem:$0x3FB6] =	sst s0  }
0x18: {  	s0 =	sld [smem:$0x3F99];
	_ =	swait.ge [sflag:s4], $0x0  }
0x19: {  	s7 =	sld [smem:$0x3F9A]  }
0x1a: {  	s8 =	sadd.s32 $0xFFFFE003, lr  }
0x1b: {  	s9 =	sadd.s32 $0xFFFFFEF7, lr;
	s5 =	simm.s32 $0xFFFFFFFF;
	p2 =	slt.u32 s8, $0xFFFFF086  }
0x1c: {  	p1 =	slt.u32 s9, $0xF7A;
	s5 =	simm.s32 @!p2 $0x0  }
0x1d: {  	s5 =	simm.s32 @p1 $0x1;
	p0 =	seq.s32 s7, s2  }
0x1e: {  	s7 =	smul.u32 @!p0 $0xF7A, s2;
	p2 =	seq.s32 @!p0 s5, $0x0  }
0x1f: {  	s9 =	smul.u32 $0xF7A, s1;
	s8 =	simm.s32 @!p0 $0x1BF5;
	p2 =	por !p2, p0  }
0x20: {  	[sflag:s8] =	ssyncset.s32 @!p0 $0xFFFFF086;
	s6 =	sadd.s32 @!p0 s3, s7;
	s7 =	simm.s32 @!p0 $0x108  }
0x21: {  	s3 =	sadd.s32 s3, s9;
	s6 =	sadd.s32 @!p0 $0x88, s6;
	s7 =	simm.s32 @p2 $0x1082  }
0x22: {  	[simem:s7], [sflag:s8] =	dma.local @!p0 [hbm:s6], $0xF7A  }
0x23: {  	s9 =	sor.u32 $0xD0000000, s2;
	s6 =	simm.s32 $0x108;
	_ =	swait.ge @!p0 [sflag:s8], $0x0  }
0x24: {  	s3 =	sadd.s32 $0x88, s3;
	s6 =	simm.s32 @!p1 $0x1082;
	[sflag:s4] =	ssyncset.s32 $0xFFFFF086  }
0x25: {  	[simem:s6], [sflag:s4] =	dma.local [hbm:s3], $0xF7A  }
0x26: {  	[smem:$0x3F9A] =	sst s1;
	(tag) =	ssettag s2;
	_ =	strace s9  }
0x27: {  	s1 =	sld [smem:$0x3FAA]  }
0x28: {  	s2 =	sld [smem:$0x3FAB]  }
0x29: {  	s4 =	sld [smem:$0x3FAD]  }
0x2a: {  	p0 =	seq.s32 s5, $0x0;
	s5 =	sld [smem:$0x3FAE]  }
0x2b: {  	s6 =	sld [smem:$0x3FAF]  }
0x2c: {  	s7 =	sld [smem:$0x3FB0]  }
0x2d: {  	s3 =	simm.s32 $0x108;
	s8 =	sld [smem:$0x3FB1]  }
0x2e: {  	s3 =	simm.s32 @!p0 $0x1082;
	s9 =	sld [smem:$0x3FB2]  }
0x2f: {  	lr =	sadd.s32 s0, s3;
	s0 =	sld [smem:$0x3FA9]  }
0x30: {  	s3 =	sld [smem:$0x3FAC]  }
0x31: {  	[smem:$0x3FB5] =	sst s10  }
0x32: {  	s10 =	sld [smem:$0x3FB3];
	_ =	sdelay $0x3  }
0x33: {  	p0 =	seq.s32 s10, $0x1;
	s10 =	sld [smem:$0x3FB5];
	_ =	sdelay $0x3  }
0x34: {  	[smem:$0x3FB5] =	sst s10  }
0x35: {  	s10 =	sld [smem:$0x3FB4];
	_ =	sdelay $0x3  }
0x36: {  	p1 =	seq.s32 s10, $0x1;
	s10 =	sld [smem:$0x3FB5];
	_ =	sdelay $0x3  }
0x37: {  	[smem:$0x3FB5] =	sst s10  }
0x38: {  	s10 =	sld [smem:$0x3FB6]  }
0x39: {  	_ = 	snop;
	(pc) =	sbr.ind lr, $3  }
0x3a: {  	_ = 	snop  }
0x3b: {  	_ = 	snop  }
0x3c: {  	p2 =	seq.s32 s10, $0x1;
	s10 =	sld [smem:$0x3FB5]  }
0x3d: {  	_ =	shalt  }
0x3e: {  	_ =	shalt  }
0x3f: {  	_ =	shalt  }
0x40: {  	_ =	shalt  }
0x41: {  	_ =	shalt  }
0x42: {  	_ =	shalt  }
0x43: {  	_ =	shalt  }
0x44: {  	_ =	shalt  }
0x45: {  	_ =	shalt  }
0x46: {  	_ =	shalt  }
0x47: {  	_ =	shalt  }
0x48: {  	_ =	shalt  }
0x49: {  	_ =	shalt  }
0x4a: {  	_ =	shalt  }
0x4b: {  	_ =	shalt  }
0x4c: {  	_ =	shalt  }
0x4d: {  	_ =	shalt  }
0x4e: {  	_ =	shalt  }
0x4f: {  	_ =	shalt  }
0x50: {  	_ =	shalt  }
0x51: {  	_ =	shalt  }
0x52: {  	_ =	shalt  }
0x53: {  	_ =	shalt  }
0x54: {  	_ =	shalt  }
0x55: {  	_ =	shalt  }
0x56: {  	_ =	shalt  }
0x57: {  	_ =	shalt  }
0x58: {  	_ =	shalt  }
0x59: {  	_ =	shalt  }
0x5a: {  	_ =	shalt  }
0x5b: {  	_ =	shalt  }
0x5c: {  	_ =	shalt  }
0x5d: {  	_ =	shalt  }
0x5e: {  	_ =	shalt  }
0x5f: {  	_ =	shalt  }
0x60: {  	_ =	shalt  }
0x61: {  	_ =	shalt  }
0x62: {  	_ =	shalt  }
0x63: {  	_ =	shalt  }
0x64: {  	_ =	shalt  }
0x65: {  	_ =	shalt  }
0x66: {  	_ =	shalt  }
0x67: {  	_ =	shalt  }
0x68: {  	_ =	shalt  }
0x69: {  	_ =	shalt  }
0x6a: {  	_ =	shalt  }
0x6b: {  	_ =	shalt  }
0x6c: {  	_ =	shalt  }
0x6d: {  	_ =	shalt  }
0x6e: {  	_ =	shalt  }
0x6f: {  	_ =	shalt  }
0x70: {  	_ =	shalt  }
0x71: {  	_ =	shalt  }
0x72: {  	_ =	shalt  }
0x73: {  	_ =	shalt  }
0x74: {  	_ =	shalt  }
0x75: {  	_ =	shalt  }
0x76: {  	_ =	shalt  }
0x77: {  	_ =	shalt  }
0x78: {  	_ =	shalt  }
0x79: {  	_ =	shalt  }
0x7a: {  	_ =	shalt  }
0x7b: {  	_ =	shalt  }
0x7c: {  	_ =	shalt  }
0x7d: {  	_ =	shalt  }
0x7e: {  	_ =	shalt  }
0x7f: {  	_ =	shalt  }
0x80: {  	_ =	shalt  }
0x81: {  	_ =	shalt  }
0x82: {  	_ =	shalt  }
0x83: {  	_ =	shalt  }
0x84: {  	_ =	shalt  }
0x85: {  	_ =	shalt  }
0x86: {  	_ =	shalt  }
0x87: {  	_ =	shalt  }
.Lfunc_end0:
.L_simem_size_0:
called_computation.1_lowered:
.L_overlay_start_0:
0x88: {  	s2 =	sld [smem:$0x3FD9]  }
0x89: {  	s3 =	sld [smem:$0x3FFE];
	_ =	sdelay $0x1  }
0x8a: {  	s1 =	srdreg.scid  }
0x8b: {  	s0 =	sand.u32 $0x1, s1  }
0x8c: {  	s17 =	sshll.u32 s0, $0xA;
	s2 =	sadd.s32 s3, s2  }
0x8d: {  	s2 =	sadd.s32 s2, s17  }
0x8e: {  	[smem:$0x3FC1] =	sst s2  }
0x8f: {  	_ = 	snop  }
0x90: {  	s2 =	sld [smem:$0x3FC6]  }
0x91: {  	s18 =	sld [smem:$0x3FC5]  }
0x92: {  	s4 =	sld [smem:$0x3FC4]  }
0x93: {  	s5 =	sld [smem:$0x3FC3]  }
0x94: {  	s6 =	sld [smem:$0x3FD0];
	(tm) =	ssettm $0x1  }
0x95: {  	s7 =	sld [smem:$0x3FFB];
	_ =	sdelay $0x3  }
0x96: {  	_ =	strace s7  }
0x97: {  	s7 =	sld [smem:$0x3FFC];
	_ =	sdelay $0x3  }
0x98: {  	_ =	strace s7  }
0x99: {  	s7 =	sld [smem:$0x3FFD];
	_ =	sdelay $0x3  }
0x9a: {  	_ =	strace s7  }
0x9b: {  	_ =	strace $0x8FFFFFFF  }
0x9c: {  	s19 =	sld [smem:$0x3FDB];
	_ =	sdelay $0x1  }
0x9d: {  	s8 =	simm.s32 $_scs_section_size  }
0x9e: {  	s9 =	simm.s32 $_size__tile_overlayer_lowered;
	s10 =	simm.s32 $_tile_overlayer_lowered  }
0x9f: {  	s22 =	simm.s32 $0x1BFF;
	s21 =	sshll.u32 s10, $0x1;
	s7 =	sadd.s32 s8, s19  }
0xa0: {  	s11 =	simm.s32 $0x0;
	s20 =	sshll.u32 s9, $0x1;
	s9 =	sadd.s32 s21, s7  }
0xa1: {  	[timem:s11], [sflag:s22] =	dma.local [hbm:s9], s20  }
0xa2: {  	_ =	swait.ge [sflag:s22], s20  }
0xa3: {  	s8 =	ssub.s32 $0x0, s20;
	[sflag:s22] =	ssyncset.done $0x0  }
0xa4: {  	[sflag:s22] =	ssyncadd.s32 s8;
	_ =	sdelay $0x1  }
0xa5: {  	s23 =	simm.s32 $0x1B8B  }
0xa6: {  	_ =	swait.ge [sflag:s23], $0x1  }
0xa7: {  	[sflag:s23] =	ssyncset.done $0x0  }
0xa8: {  	s25 =	simm.s32 $0x1B8E;
	s24 =	sld [smem:$0x3FFE];
	[sflag:s23] =	ssyncadd.s32 $0xFFFFFFFF  }
0xa9: {  	s26 =	simm.s32 $execute0_lowered;
	[smem:$0x3FD2] =	sst s25  }
0xaa: {  	s9 =	sshll.u32 s26, $0x1;
	_ =	strace $0x80000046;
	[dreg:$0x1] =	wrdreg $0xFFFFFFFF  }
0xab: {  	s28 =	simm.s32 $_size_execute0_lowered;
	s7 =	sadd.s32 s7, s9;
	[dreg:$0x0] =	wrdreg $0x0  }
0xac: {  	s9 =	sshll.u32 s28, $0x1;
	[dreg:$0x2] =	wrdreg s7  }
0xad: {  	[dreg:$0x3] =	wrdreg s9  }
0xae: {  	[dreg:$0x4] =	wrdreg $0xC0  }
0xaf: {  	_ =	task [dreg:s11], $0x5FFFF  }
0xb0: {  	[dreg:$0x1] =	wrdreg $0xFFFFFFFF  }
0xb1: {  	[dreg:$0x0] =	wrdreg $0x60  }
0xb2: {  	[dreg:$0x2] =	wrdreg s24  }
0xb3: {  	[dreg:$0x3] =	wrdreg s2  }
0xb4: {  	[dreg:$0x4] =	wrdreg s18  }
0xb5: {  	[dreg:$0x5] =	wrdreg s4  }
0xb6: {  	[dreg:$0x6] =	wrdreg s5  }
0xb7: {  	[dreg:$0x7] =	wrdreg s6  }
0xb8: {  	[dreg:$0x8] =	wrdreg $0x9  }
0xb9: {  	_ =	task.clear_ibuf [dreg:s11], $0x9FFFF;
	_ =	strace $0x90000046  }
0xba: {  	s29 =	simm.s32 $0x9;
	_ =	strace $0x80000048  }
0xbb: {  	_ =	swait.ge [sflag:s29], $0x1  }
0xbc: {  	[sflag:s29] =	ssyncadd.s32 $0xFFFFFFFF  }
0xbd: {  	_ =	strace $0x90000048  }
0xbe: {  	_ =	sfence  }
0xbf: {  	s30 =	sld [smem:$0x0];
	_ =	sdelay $0x2  }
0xc0: {  	s31 =	sshll.u32 s1, $0xD;
	s1 =	sshrl.u32 s1, $0x2  }
0xc1: {  	s3 =	sand.u32 $0x4000, s31;
	s1 =	sadd.s32 s1, s30  }
0xc2: {  	s0 =	sor.u32 s3, s0;
	s1 =	sshll.u32 s1, $0x11  }
0xc3: {  	s0 =	sor.u32 s1, s0  }
0xc4: {  	s0 =	sadd.s32 $0x8F2B, s0  }
0xc5: {  	[sflag:s0] =	ssyncadd.remote.s32 $0x1  }
0xc6: {  	_ =	sfence.sel $0xFFFF  }
0xc7: {  	[dreg:$0x0] =	wrdreg $0xFFFFFFFF;
	(pc) =	sbr.abs _section_cstart, $3  }
0xc8: {  	[dreg:$0x1] =	wrdreg $0xFFFFFFFF  }
0xc9: {  	_ =	task.clear_ibuf [dreg:s11], $0x2FFFF;
	_ =	strace $0x9FFFFFFF  }
0xca: {  	(tm) =	ssettm $0x7FFFFFFF  }
0xcb: {  	_ =	shalt  }
tec
execute0_lowered:
.L_overlay_start_1:
0x0: {  	(tag) =	ssettag $0x1  }
0x1: {  	s0 =	rddreg [dreg:$0x0]  }
0x2: {  	s1 =	rddreg [dreg:$0x1]  }
0x3: {  	s2 =	rddreg [dreg:$0x2]  }
0x4: {  	s4 =	rddreg [dreg:$0x3]  }
0x5: {  	s5 =	rddreg [dreg:$0x4]  }
0x6: {  	s3 =	rddreg [dreg:$0x5]  }
0x7: {  	s15 =	stileid.u32;
	s7 =	srdreg.scid  }
0x8: {  	s6 =	simm.s32 $0x0;
	s10 =	smul.u32 $0xC800, s15;
	s11 =	sand.u32 $0x1, s7  }
0x9: {  	s9 =	smul.u32 $0x514000, s15;
	[smem:$0x7FF] =	sst s6;
	s7 =	sadd.s32 $0xFA5800, s0  }
0xa: {  	s8 =	sadd.s32 $0x1800, s0;
	s18 =	sshll.u32 s15, $0x1;
	s12 =	smul.u32 $0x28A000, s11  }
0xb: {  	s15 =	simm.s32 $0xB000;
	_ =	strace $0x80000047;
	s13 =	smul.u32 $0x6400, s11  }
0xc: {  	[dreg:$0x14] =	wrdreg s15;
	s12 =	sadd.s32 s12, s9;
	s9 =	sadd.s32 $0x800, s0  }
0xd: {  	s19 =	sadd.s32 s13, s10;
	s13 =	ssub.s32 $0x2, s11;
	s20 =	sadd.s32 $0xD000, s12  }
0xe: {  	s0 =	sadd.s32 $0x400, s19;
	s22 =	sadd.s32 $0xD020, s12;
	s16 =	sshrl.u32 s13, $0x1  }
0xf: {  	s19 =	simm.s32 $0x5000;
	s10 =	sshrl.u32 s20, $0x3;
	[dreg:$0x7] =	wrdreg s0  }
0x10: {  	s23 =	sshrl.u32 s22, $0x3;
	[dreg:$0xd] =	wrdreg s19;
	s20 =	simm.s32 $0x9000  }
0x11: {  	s22 =	ssub.s32 s13, s16;
	s13 =	simm.s32 $0x7000;
	[dreg:$0xe] =	wrdreg s20  }
0x12: {  	s16 =	simm.s32 $0xF000;
	[dreg:$0x13] =	wrdreg s13  }
0x13: {  	s14 =	sadd.s32 $0xD060, s12;
	s19 =	simm.s32 $0x15000;
	[dreg:$0x15] =	wrdreg s16  }
0x14: {  	s26 =	sshrl.u32 s14, $0x3;
	s21 =	sadd.s32 s10, s3;
	[dreg:$0x17] =	wrdreg s19  }
0x15: {  	s14 =	sshrl.u32 s12, $0x3;
	s0 =	sadd.s32 s23, s3;
	[dreg:$0x8] =	wrdreg s21  }
0x16: {  	s17 =	sadd.s32 s14, s3;
	[dreg:$0x9] =	wrdreg s0  }
0x17: {  	s24 =	sadd.s32 $0xD040, s12;
	s23 =	simm.s32 $0x6000;
	[dreg:$0xc] =	wrdreg s17  }
0x18: {  	s10 =	sshrl.u32 s24, $0x3;
	s24 =	simm.s32 $0xA000;
	[dreg:$0x10] =	wrdreg s23  }
0x19: {  	s28 =	simm.s32 $0x3000;
	s20 =	simm.s32 $0x19000;
	[dreg:$0x11] =	wrdreg s24  }
0x1a: {  	s29 =	simm.s32 $0x2;
	s25 =	sadd.s32 s10, s3;
	[dreg:$0x18] =	wrdreg s20  }
0x1b: {  	s30 =	simm.s32 $0x20;
	s10 =	sadd.s32 s26, s3;
	[dreg:$0xa] =	wrdreg s25  }
0x1c: {  	s31 =	simm.s32 $0x68;
	s21 =	simm.s32 $0xD000;
	[dreg:$0xb] =	wrdreg s10  }
0x1d: {  	v0 =	vlaneseq.u32;
	s15 =	simm.s32 $0x0;
	s26 =	simm.s32 $0xE000;
	[dreg:$0xf] =	wrdreg s21  }
0x1e: {  	v0 =	vmul.u32 $0x8, v0;
	s19 =	simm.s32 $0x80;
	s17 =	smax.u32 s22, $0x1;
	[dreg:$0x12] =	wrdreg s26  }
0x1f: {  	s3 =	sor.u32 s11, s18;
	s18 =	simm.s32 $0x11000;
	[smem:$0x7FD] =	sst s17  }
0x20: {  	v1 =	vor.u32 $0x80, v0;
	s22 =	simm.s32 $0x16000;
	s23 =	simm.s32 $0x1A000;
	[dreg:$0x16] =	wrdreg s18  }
0x21: {  	v2 =	vor.u32 $0x100, v0;
	v3 =	vor.u32 $0x180, v0;
	v4 =	vor.u32 $0x200, v0;
	s20 =	simm.s32 $0x4000;
	s24 =	simm.s32 $0x13000;
	[dreg:$0x1a] =	wrdreg s22  }
0x22: {  	v5 =	vor.u32 $0x280, v0;
	v6 =	vor.u32 $0x300, v0;
	v7 =	vor.u32 $0x380, v0;
	s0 =	simm.s32 $0x8;
	s3 =	smul.u32 $0x6400, s3;
	[dreg:$0x1b] =	wrdreg s23  }
0x23: {  	v8 =	vor.u32 $0x400, v0;
	v9 =	vor.u32 $0x480, v0;
	v10 =	vor.u32 $0x500, v0;
	s21 =	simm.s32 $0x12000;
	s18 =	simm.s32 $0x1;
	[dreg:$0x1c] =	wrdreg s24  }
0x24: {  	v11 =	vor.u32 $0x580, v0;
	v12 =	vor.u32 $0x600, v0;
	v13 =	vor.u32 $0x680, v0;
	s26 =	simm.s32 $0x1B000;
	[dreg:$0x19] =	wrdreg s21;
	s3 =	sshrl.u32 s3, $0x3  }
0x25: {  	v14 =	vor.u32 $0x700, v0;
	v15 =	vor.u32 $0x780, v0;
	v16 =	vor.u32 $0x800, v0;
	s22 =	simm.s32 $0xC000;
	[dreg:$0x1e] =	wrdreg s26;
	s25 =	sadd.s32 s2, s3  }
0x26: {  	v17 =	vor.u32 $0x880, v0;
	v18 =	vor.u32 $0x900, v0;
	v19 =	vor.u32 $0x980, v0;
	s23 =	simm.s32 $0x2000;
	s12 =	sadd.s32 s4, s3;
	[dreg:$0x1f] =	wrdreg s25  }
0x27: {  	v20 =	vor.u32 $0xA00, v0;
	v21 =	vor.u32 $0xA80, v0;
	v22 =	vor.u32 $0xB00, v0;
	s24 =	simm.s32 $0x10000;
	s14 =	sadd.s32 s5, s3;
	[smem:$0x7FA] =	sst s12  }
0x28: {  	v23 =	vor.u32 $0xB80, v0;
	v24 =	vor.u32 $0xC00, v0;
	v25 =	vor.u32 $0xC80, v0;
	s21 =	simm.s32 $0x8000;
	s3 =	sadd.s32 s1, s3;
	[smem:$0x7FB] =	sst s14  }
0x29: {  	v26 =	vor.u32 $0xD00, v0;
	v27 =	vor.u32 $0xD80, v0;
	v28 =	vor.u32 $0xE00, v0;
	s26 =	simm.s32 $0x18000;
	[smem:$0x7FC] =	sst s3;
	s25 =	simm.s32 $0x17000  }
0x2a: {  	v29 =	vor.u32 $0xE80, v0;
	v30 =	vor.u32 $0xF00, v0;
	v31 =	vor.u32 $0xF80, v0;
	s3 =	simm.s32 $0x3;
	[dreg:$0x1d] =	wrdreg s25;
	s25 =	simm.s32 $0x14000  }
.LBB2_1:
0x2b: {  	s10 =	rddreg [dreg:$0x1f]  }
0x2c: {  	s12 =	sld [smem:$0x7FA]  }
0x2d: {  	[tilespmem:s6], [sflag:$0x1] =	stream.linear.gather [hbm4b:s10+s6], $0x400, $0x38;
	[tilespmem:$0x1C000] =	vst v63  }
0x2e: {  	s11 =	simm.s32 $0x800;
	s13 =	sld [smem:$0x7FB]  }
0x2f: {  	[tilespmem:s11], [sflag:$0x1] =	stream.linear.gather [hbm4b:s12+s6], $0x400, $0x38;
	[tilespmem:$0x1C000] =	vst v63  }
0x30: {  	s14 =	simm.s32 $0x1000;
	s16 =	sld [smem:$0x7FC]  }
0x31: {  	[tilespmem:s14], [sflag:$0x1] =	stream.linear.gather [hbm4b:s13+s6], $0x400, $0x38;
	[tilespmem:$0x1C000] =	vst v63  }
0x32: {  	s17 =	simm.s32 $0x1800  }
0x33: {  	[tilespmem:s17], [sflag:$0x1] =	stream.linear.gather [hbm4b:s16+s6], $0x400, $0x38;
	[tilespmem:$0x1C000] =	vst v63  }
0x34: {  	s16 =	simm.s32 $0x0;
	s17 =	simm.s32 $0x0  }
.LBB2_2:
0x35: {  	_ =	swait.ge [sflag:s18], $0x400  }
0x36: {  	[sflag:s18] =	ssyncset.done $0x0  }
0x37: {  	[sflag:s18] =	ssyncadd.s32 $0xFFFFFC00  }
0x38: {  	_ =	swait.ge [sflag:s18], $0x400  }
0x39: {  	[sflag:s18] =	ssyncset.done $0x0  }
0x3a: {  	[sflag:s18] =	ssyncadd.s32 $0xFFFFFC00  }
0x3b: {  	_ =	swait.ge [sflag:s18], $0x400  }
0x3c: {  	[sflag:s18] =	ssyncset.done $0x0  }
0x3d: {  	[sflag:s18] =	ssyncadd.s32 $0xFFFFFC00  }
0x3e: {  	_ =	swait.ge [sflag:s18], $0x400  }
0x3f: {  	p0 =	seq.s32 s17, $0x0;
	[sflag:s18] =	ssyncset.done $0x0  }
0x40: {  	s11 =	simm.s32 @!p0 $0x3;
	[sflag:s18] =	ssyncadd.s32 $0xFFFFFC00  }
0x41: {  	_ =	swait.ge @!p0 [sflag:s11], $0x4000  }
0x42: {  	[sflag:s11] =	ssyncset.done @!p0 $0x0  }
0x43: {  	[sflag:s11] =	ssyncadd.s32 @!p0 $0xFFFFC000  }
0x44: {  	_ =	swait.ge @!p0 [sflag:s11], $0x4000  }
0x45: {  	[sflag:s11] =	ssyncset.done @!p0 $0x0  }
0x46: {  	[sflag:s11] =	ssyncadd.s32 @!p0 $0xFFFFC000  }
0x47: {  	_ =	swait.ge @!p0 [sflag:s11], $0x4000  }
0x48: {  	[sflag:s11] =	ssyncset.done @!p0 $0x0  }
0x49: {  	[sflag:s11] =	ssyncadd.s32 @!p0 $0xFFFFC000  }
0x4a: {  	_ =	swait.ge @!p0 [sflag:s11], $0x1000  }
0x4b: {  	[sflag:s11] =	ssyncset.done @!p0 $0x0  }
0x4c: {  	s10 =	sand.u32 $0x400, s16;
	[sflag:s11] =	ssyncadd.s32 @!p0 $0xFFFFF000  }
0x4d: {  	[tilespmem:s20], [sflag:$0x2] =	stream.indirect.gather [hbm4b:s7+s19], $0x20, s10, s19, $0xb8;
	[tilespmem:$0x1C000] =	vst v63  }
0x4e: {  	s12 =	sor.u32 $0x800, s10  }
0x4f: {  	[tilespmem:s21], [sflag:$0x2] =	stream.indirect.gather [hbm4b:s8+s19], $0x20, s12, s19, $0xb8;
	[tilespmem:$0x1C000] =	vst v63  }
0x50: {  	s14 =	sor.u32 $0x1000, s10  }
0x51: {  	[tilespmem:s22], [sflag:$0x2] =	stream.indirect.gather [hbm4b:s9+s19], $0x20, s14, s19, $0xb8;
	[tilespmem:$0x1C000] =	vst v63  }
0x52: {  	s13 =	rddreg [dreg:$0xd];
	s12 =	sor.u32 $0x80, s10  }
0x53: {  	[tilespmem:s13], [sflag:$0x2] =	stream.indirect.gather [hbm4b:s7+s19], $0x20, s12, s19, $0xb8;
	[tilespmem:$0x1C000] =	vst v63  }
0x54: {  	s14 =	rddreg [dreg:$0xe];
	s12 =	sor.u32 $0x880, s10  }
0x55: {  	[tilespmem:s14], [sflag:$0x2] =	stream.indirect.gather [hbm4b:s8+s19], $0x20, s12, s19, $0xb8;
	[tilespmem:$0x1C000] =	vst v63  }
0x56: {  	s13 =	rddreg [dreg:$0xf];
	s12 =	sor.u32 $0x1080, s10  }
0x57: {  	[tilespmem:s13], [sflag:$0x2] =	stream.indirect.gather [hbm4b:s9+s19], $0x20, s12, s19, $0xb8;
	[tilespmem:$0x1C000] =	vst v63  }
0x58: {  	s14 =	rddreg [dreg:$0x10];
	s12 =	sor.u32 $0x100, s10  }
0x59: {  	[tilespmem:s14], [sflag:$0x2] =	stream.indirect.gather [hbm4b:s7+s19], $0x20, s12, s19, $0xb8;
	[tilespmem:$0x1C000] =	vst v63  }
0x5a: {  	s13 =	rddreg [dreg:$0x11];
	s12 =	sor.u32 $0x900, s10  }
0x5b: {  	[tilespmem:s13], [sflag:$0x2] =	stream.indirect.gather [hbm4b:s8+s19], $0x20, s12, s19, $0xb8;
	[tilespmem:$0x1C000] =	vst v63  }
0x5c: {  	s14 =	rddreg [dreg:$0x12];
	s12 =	sor.u32 $0x1100, s10  }
0x5d: {  	[tilespmem:s14], [sflag:$0x2] =	stream.indirect.gather [hbm4b:s9+s19], $0x20, s12, s19, $0xb8;
	[tilespmem:$0x1C000] =	vst v63  }
0x5e: {  	s13 =	rddreg [dreg:$0x13];
	s12 =	sor.u32 $0x180, s10  }
0x5f: {  	[tilespmem:s13], [sflag:$0x2] =	stream.indirect.gather [hbm4b:s7+s19], $0x20, s12, s19, $0xb8;
	[tilespmem:$0x1C000] =	vst v63  }
0x60: {  	s14 =	rddreg [dreg:$0x14];
	s12 =	sor.u32 $0x980, s10  }
0x61: {  	[tilespmem:s14], [sflag:$0x2] =	stream.indirect.gather [hbm4b:s8+s19], $0x20, s12, s19, $0xb8;
	[tilespmem:$0x1C000] =	vst v63  }
0x62: {  	s13 =	rddreg [dreg:$0x15];
	s14 =	sor.u32 $0x1180, s10  }
0x63: {  	[tilespmem:s13], [sflag:$0x2] =	stream.indirect.gather [hbm4b:s9+s19], $0x20, s14, s19, $0xb8;
	[tilespmem:$0x1C000] =	vst v63  }
0x64: {  	v32 =	vld [tilespmem:s10+$0x1800];
	_ =	sdelay $0x4  }
0x65: {  	[tilespmem:v0+s23+$0x0] =	vst.idx.msk $0xffff, v32  }
0x66: {  	v32 =	vld [tilespmem:s10+$0x1810];
	_ =	sdelay $0x4  }
0x67: {  	[tilespmem:v1+s23+$0x0] =	vst.idx.msk $0xffff, v32  }
0x68: {  	v32 =	vld [tilespmem:s10+$0x1820];
	_ =	sdelay $0x4  }
0x69: {  	[tilespmem:v2+s23+$0x0] =	vst.idx.msk $0xffff, v32  }
0x6a: {  	v32 =	vld [tilespmem:s10+$0x1830];
	_ =	sdelay $0x4  }
0x6b: {  	[tilespmem:v3+s23+$0x0] =	vst.idx.msk $0xffff, v32  }
0x6c: {  	v32 =	vld [tilespmem:s10+$0x1840];
	_ =	sdelay $0x4  }
0x6d: {  	[tilespmem:v4+s23+$0x0] =	vst.idx.msk $0xffff, v32  }
0x6e: {  	v32 =	vld [tilespmem:s10+$0x1850];
	_ =	sdelay $0x4  }
0x6f: {  	[tilespmem:v5+s23+$0x0] =	vst.idx.msk $0xffff, v32  }
0x70: {  	v32 =	vld [tilespmem:s10+$0x1860];
	_ =	sdelay $0x4  }
0x71: {  	[tilespmem:v6+s23+$0x0] =	vst.idx.msk $0xffff, v32  }
0x72: {  	v32 =	vld [tilespmem:s10+$0x1870];
	_ =	sdelay $0x4  }
0x73: {  	[tilespmem:v7+s23+$0x0] =	vst.idx.msk $0xffff, v32  }
0x74: {  	v32 =	vld [tilespmem:s10+$0x1880];
	_ =	sdelay $0x4  }
0x75: {  	[tilespmem:v8+s23+$0x0] =	vst.idx.msk $0xffff, v32  }
0x76: {  	v32 =	vld [tilespmem:s10+$0x1890];
	_ =	sdelay $0x4  }
0x77: {  	[tilespmem:v9+s23+$0x0] =	vst.idx.msk $0xffff, v32  }
0x78: {  	v32 =	vld [tilespmem:s10+$0x18A0];
	_ =	sdelay $0x4  }
0x79: {  	[tilespmem:v10+s23+$0x0] =	vst.idx.msk $0xffff, v32  }
0x7a: {  	v32 =	vld [tilespmem:s10+$0x18B0];
	_ =	sdelay $0x4  }
0x7b: {  	[tilespmem:v11+s23+$0x0] =	vst.idx.msk $0xffff, v32  }
0x7c: {  	v32 =	vld [tilespmem:s10+$0x18C0];
	_ =	sdelay $0x4  }
0x7d: {  	[tilespmem:v12+s23+$0x0] =	vst.idx.msk $0xffff, v32  }
0x7e: {  	v32 =	vld [tilespmem:s10+$0x18D0];
	_ =	sdelay $0x4  }
0x7f: {  	[tilespmem:v13+s23+$0x0] =	vst.idx.msk $0xffff, v32  }
0x80: {  	v32 =	vld [tilespmem:s10+$0x18E0];
	_ =	sdelay $0x4  }
0x81: {  	[tilespmem:v14+s23+$0x0] =	vst.idx.msk $0xffff, v32  }
0x82: {  	v32 =	vld [tilespmem:s10+$0x18F0];
	_ =	sdelay $0x4  }
0x83: {  	[tilespmem:v15+s23+$0x0] =	vst.idx.msk $0xffff, v32  }
0x84: {  	v32 =	vld [tilespmem:s10+$0x1900];
	_ =	sdelay $0x4  }
0x85: {  	[tilespmem:v16+s23+$0x0] =	vst.idx.msk $0xffff, v32  }
0x86: {  	v32 =	vld [tilespmem:s10+$0x1910];
	_ =	sdelay $0x4  }
0x87: {  	[tilespmem:v17+s23+$0x0] =	vst.idx.msk $0xffff, v32  }
0x88: {  	v32 =	vld [tilespmem:s10+$0x1920];
	_ =	sdelay $0x4  }
0x89: {  	[tilespmem:v18+s23+$0x0] =	vst.idx.msk $0xffff, v32  }
0x8a: {  	v32 =	vld [tilespmem:s10+$0x1930];
	_ =	sdelay $0x4  }
0x8b: {  	[tilespmem:v19+s23+$0x0] =	vst.idx.msk $0xffff, v32  }
0x8c: {  	v32 =	vld [tilespmem:s10+$0x1940];
	_ =	sdelay $0x4  }
0x8d: {  	[tilespmem:v20+s23+$0x0] =	vst.idx.msk $0xffff, v32  }
0x8e: {  	v32 =	vld [tilespmem:s10+$0x1950];
	_ =	sdelay $0x4  }
0x8f: {  	[tilespmem:v21+s23+$0x0] =	vst.idx.msk $0xffff, v32  }
0x90: {  	v32 =	vld [tilespmem:s10+$0x1960];
	_ =	sdelay $0x4  }
0x91: {  	[tilespmem:v22+s23+$0x0] =	vst.idx.msk $0xffff, v32  }
0x92: {  	v32 =	vld [tilespmem:s10+$0x1970];
	_ =	sdelay $0x4  }
0x93: {  	[tilespmem:v23+s23+$0x0] =	vst.idx.msk $0xffff, v32  }
0x94: {  	v32 =	vld [tilespmem:s10+$0x1980];
	_ =	sdelay $0x4  }
0x95: {  	[tilespmem:v24+s23+$0x0] =	vst.idx.msk $0xffff, v32  }
0x96: {  	v32 =	vld [tilespmem:s10+$0x1990];
	_ =	sdelay $0x4  }
0x97: {  	[tilespmem:v25+s23+$0x0] =	vst.idx.msk $0xffff, v32  }
0x98: {  	v32 =	vld [tilespmem:s10+$0x19A0];
	_ =	sdelay $0x4  }
0x99: {  	[tilespmem:v26+s23+$0x0] =	vst.idx.msk $0xffff, v32  }
0x9a: {  	v32 =	vld [tilespmem:s10+$0x19B0];
	_ =	sdelay $0x4  }
0x9b: {  	[tilespmem:v27+s23+$0x0] =	vst.idx.msk $0xffff, v32  }
0x9c: {  	v32 =	vld [tilespmem:s10+$0x19C0];
	_ =	sdelay $0x4  }
0x9d: {  	[tilespmem:v28+s23+$0x0] =	vst.idx.msk $0xffff, v32  }
0x9e: {  	v32 =	vld [tilespmem:s10+$0x19D0];
	_ =	sdelay $0x4  }
0x9f: {  	[tilespmem:v29+s23+$0x0] =	vst.idx.msk $0xffff, v32  }
0xa0: {  	v32 =	vld [tilespmem:s10+$0x19E0];
	_ =	sdelay $0x4  }
0xa1: {  	[tilespmem:v30+s23+$0x0] =	vst.idx.msk $0xffff, v32  }
0xa2: {  	v32 =	vld [tilespmem:s10+$0x19F0];
	_ =	sdelay $0x4  }
0xa3: {  	[tilespmem:v31+s23+$0x0] =	vst.idx.msk $0xffff, v32  }
0xa4: {  	_ =	swait.ge @!p0 [sflag:s11], $0x4000  }
0xa5: {  	[sflag:s11] =	ssyncset.done @!p0 $0x0  }
0xa6: {  	[sflag:s11] =	ssyncadd.s32 @!p0 $0xFFFFC000  }
0xa7: {  	_ =	swait.ge @!p0 [sflag:s11], $0x4000  }
0xa8: {  	[sflag:s11] =	ssyncset.done @!p0 $0x0  }
0xa9: {  	[sflag:s11] =	ssyncadd.s32 @!p0 $0xFFFFC000  }
0xaa: {  	_ =	swait.ge @!p0 [sflag:s11], $0x4000  }
0xab: {  	[sflag:s11] =	ssyncset.done @!p0 $0x0  }
0xac: {  	[sflag:s11] =	ssyncadd.s32 @!p0 $0xFFFFC000  }
0xad: {  	_ =	swait.ge @!p0 [sflag:s11], $0x1000  }
0xae: {  	[sflag:s11] =	ssyncset.done @!p0 $0x0  }
0xaf: {  	s14 =	sor.u32 $0x200, s10;
	[sflag:s11] =	ssyncadd.s32 @!p0 $0xFFFFF000  }
0xb0: {  	[tilespmem:s24], [sflag:$0x2] =	stream.indirect.gather [hbm4b:s7+s19], $0x20, s14, s19, $0xb8;
	[tilespmem:$0x1C000] =	vst v63  }
0xb1: {  	s12 =	sor.u32 $0xA00, s10  }
0xb2: {  	[tilespmem:s25], [sflag:$0x2] =	stream.indirect.gather [hbm4b:s8+s19], $0x20, s12, s19, $0xb8;
	[tilespmem:$0x1C000] =	vst v63  }
0xb3: {  	s13 =	sor.u32 $0x1200, s10  }
0xb4: {  	[tilespmem:s26], [sflag:$0x2] =	stream.indirect.gather [hbm4b:s9+s19], $0x20, s13, s19, $0xb8;
	[tilespmem:$0x1C000] =	vst v63  }
0xb5: {  	s14 =	sor.u32 $0x280, s10;
	s12 =	rddreg [dreg:$0x16]  }
0xb6: {  	[tilespmem:s12], [sflag:$0x2] =	stream.indirect.gather [hbm4b:s7+s19], $0x20, s14, s19, $0xb8;
	[tilespmem:$0x1C000] =	vst v63  }
0xb7: {  	s13 =	rddreg [dreg:$0x17];
	s14 =	sor.u32 $0xA80, s10  }
0xb8: {  	[tilespmem:s13], [sflag:$0x2] =	stream.indirect.gather [hbm4b:s8+s19], $0x20, s14, s19, $0xb8;
	[tilespmem:$0x1C000] =	vst v63  }
0xb9: {  	s12 =	rddreg [dreg:$0x18];
	s14 =	sor.u32 $0x1280, s10  }
0xba: {  	[tilespmem:s12], [sflag:$0x2] =	stream.indirect.gather [hbm4b:s9+s19], $0x20, s14, s19, $0xb8;
	[tilespmem:$0x1C000] =	vst v63  }
0xbb: {  	s13 =	rddreg [dreg:$0x19];
	s14 =	sor.u32 $0x300, s10  }
0xbc: {  	[tilespmem:s13], [sflag:$0x2] =	stream.indirect.gather [hbm4b:s7+s19], $0x20, s14, s19, $0xb8;
	[tilespmem:$0x1C000] =	vst v63  }
0xbd: {  	s12 =	rddreg [dreg:$0x1a];
	s14 =	sor.u32 $0xB00, s10  }
0xbe: {  	[tilespmem:s12], [sflag:$0x2] =	stream.indirect.gather [hbm4b:s8+s19], $0x20, s14, s19, $0xb8;
	[tilespmem:$0x1C000] =	vst v63  }
0xbf: {  	s13 =	rddreg [dreg:$0x1b];
	s14 =	sor.u32 $0x1300, s10  }
0xc0: {  	[tilespmem:s13], [sflag:$0x2] =	stream.indirect.gather [hbm4b:s9+s19], $0x20, s14, s19, $0xb8;
	[tilespmem:$0x1C000] =	vst v63  }
0xc1: {  	s12 =	rddreg [dreg:$0x1c];
	s14 =	sor.u32 $0x380, s10  }
0xc2: {  	[tilespmem:s12], [sflag:$0x2] =	stream.indirect.gather [hbm4b:s7+s19], $0x20, s14, s19, $0xb8;
	[tilespmem:$0x1C000] =	vst v63  }
0xc3: {  	s13 =	rddreg [dreg:$0x1d];
	s14 =	sor.u32 $0xB80, s10  }
0xc4: {  	[tilespmem:s13], [sflag:$0x2] =	stream.indirect.gather [hbm4b:s8+s19], $0x20, s14, s19, $0xb8;
	[tilespmem:$0x1C000] =	vst v63  }
0xc5: {  	s12 =	rddreg [dreg:$0x1e];
	s14 =	sor.u32 $0x1380, s10  }
0xc6: {  	[tilespmem:s12], [sflag:$0x2] =	stream.indirect.gather [hbm4b:s9+s19], $0x20, s14, s19, $0xb8;
	[tilespmem:$0x1C000] =	vst v63  }
0xc7: {  	s12 =	sor.u32 $0x1A00, s10  }
0xc8: {  	v63 =	vld [tilespmem:s12+$0x0];
	_ =	sdelay $0x4  }
0xc9: {  	[tilespmem:v0+s28+$0x0] =	vst.idx.msk $0xffff, v63  }
0xca: {  	v32 =	vld [tilespmem:s10+$0x1A10];
	_ =	sdelay $0x4  }
0xcb: {  	[tilespmem:v1+s28+$0x0] =	vst.idx.msk $0xffff, v32  }
0xcc: {  	v32 =	vld [tilespmem:s10+$0x1A20];
	_ =	sdelay $0x4  }
0xcd: {  	[tilespmem:v2+s28+$0x0] =	vst.idx.msk $0xffff, v32  }
0xce: {  	v32 =	vld [tilespmem:s10+$0x1A30];
	_ =	sdelay $0x4  }
0xcf: {  	[tilespmem:v3+s28+$0x0] =	vst.idx.msk $0xffff, v32  }
0xd0: {  	v32 =	vld [tilespmem:s10+$0x1A40];
	_ =	sdelay $0x4  }
0xd1: {  	[tilespmem:v4+s28+$0x0] =	vst.idx.msk $0xffff, v32  }
0xd2: {  	v32 =	vld [tilespmem:s10+$0x1A50];
	_ =	sdelay $0x4  }
0xd3: {  	[tilespmem:v5+s28+$0x0] =	vst.idx.msk $0xffff, v32  }
0xd4: {  	v32 =	vld [tilespmem:s10+$0x1A60];
	_ =	sdelay $0x4  }
0xd5: {  	[tilespmem:v6+s28+$0x0] =	vst.idx.msk $0xffff, v32  }
0xd6: {  	v32 =	vld [tilespmem:s10+$0x1A70];
	_ =	sdelay $0x4  }
0xd7: {  	s13 =	sor.u32 $0x1A80, s10;
	[tilespmem:v7+s28+$0x0] =	vst.idx.msk $0xffff, v32  }
0xd8: {  	v32 =	vld [tilespmem:s13+$0x0];
	_ =	sdelay $0x4  }
0xd9: {  	[tilespmem:v8+s28+$0x0] =	vst.idx.msk $0xffff, v32  }
0xda: {  	v32 =	vld [tilespmem:s10+$0x1A90];
	_ =	sdelay $0x4  }
0xdb: {  	[tilespmem:v9+s28+$0x0] =	vst.idx.msk $0xffff, v32  }
0xdc: {  	v32 =	vld [tilespmem:s10+$0x1AA0];
	_ =	sdelay $0x4  }
0xdd: {  	[tilespmem:v10+s28+$0x0] =	vst.idx.msk $0xffff, v32  }
0xde: {  	v32 =	vld [tilespmem:s10+$0x1AB0];
	_ =	sdelay $0x4  }
0xdf: {  	[tilespmem:v11+s28+$0x0] =	vst.idx.msk $0xffff, v32  }
0xe0: {  	v32 =	vld [tilespmem:s10+$0x1AC0];
	_ =	sdelay $0x4  }
0xe1: {  	[tilespmem:v12+s28+$0x0] =	vst.idx.msk $0xffff, v32  }
0xe2: {  	v32 =	vld [tilespmem:s10+$0x1AD0];
	_ =	sdelay $0x4  }
0xe3: {  	[tilespmem:v13+s28+$0x0] =	vst.idx.msk $0xffff, v32  }
0xe4: {  	v32 =	vld [tilespmem:s10+$0x1AE0];
	_ =	sdelay $0x4  }
0xe5: {  	[tilespmem:v14+s28+$0x0] =	vst.idx.msk $0xffff, v32  }
0xe6: {  	v32 =	vld [tilespmem:s10+$0x1AF0];
	_ =	sdelay $0x4  }
0xe7: {  	s14 =	sor.u32 $0x1B00, s10;
	[tilespmem:v15+s28+$0x0] =	vst.idx.msk $0xffff, v32  }
0xe8: {  	v32 =	vld [tilespmem:s14+$0x0];
	_ =	sdelay $0x4  }
0xe9: {  	[tilespmem:v16+s28+$0x0] =	vst.idx.msk $0xffff, v32  }
0xea: {  	v32 =	vld [tilespmem:s10+$0x1B10];
	_ =	sdelay $0x4  }
0xeb: {  	[tilespmem:v17+s28+$0x0] =	vst.idx.msk $0xffff, v32  }
0xec: {  	v32 =	vld [tilespmem:s10+$0x1B20];
	_ =	sdelay $0x4  }
0xed: {  	[tilespmem:v18+s28+$0x0] =	vst.idx.msk $0xffff, v32  }
0xee: {  	v32 =	vld [tilespmem:s10+$0x1B30];
	_ =	sdelay $0x4  }
0xef: {  	[tilespmem:v19+s28+$0x0] =	vst.idx.msk $0xffff, v32  }
0xf0: {  	v32 =	vld [tilespmem:s10+$0x1B40];
	_ =	sdelay $0x4  }
0xf1: {  	[tilespmem:v20+s28+$0x0] =	vst.idx.msk $0xffff, v32  }
0xf2: {  	v32 =	vld [tilespmem:s10+$0x1B50];
	_ =	sdelay $0x4  }
0xf3: {  	[tilespmem:v21+s28+$0x0] =	vst.idx.msk $0xffff, v32  }
0xf4: {  	v32 =	vld [tilespmem:s10+$0x1B60];
	_ =	sdelay $0x4  }
0xf5: {  	[tilespmem:v22+s28+$0x0] =	vst.idx.msk $0xffff, v32  }
0xf6: {  	v32 =	vld [tilespmem:s10+$0x1B70];
	_ =	sdelay $0x4  }
0xf7: {  	s12 =	sor.u32 $0x1B80, s10;
	[tilespmem:v23+s28+$0x0] =	vst.idx.msk $0xffff, v32  }
0xf8: {  	v32 =	vld [tilespmem:s12+$0x0];
	_ =	sdelay $0x4  }
0xf9: {  	[tilespmem:v24+s28+$0x0] =	vst.idx.msk $0xffff, v32  }
0xfa: {  	v32 =	vld [tilespmem:s10+$0x1B90];
	_ =	sdelay $0x4  }
0xfb: {  	[tilespmem:v25+s28+$0x0] =	vst.idx.msk $0xffff, v32  }
0xfc: {  	v32 =	vld [tilespmem:s10+$0x1BA0];
	_ =	sdelay $0x4  }
0xfd: {  	[tilespmem:v26+s28+$0x0] =	vst.idx.msk $0xffff, v32  }
0xfe: {  	v32 =	vld [tilespmem:s10+$0x1BB0];
	_ =	sdelay $0x4  }
0xff: {  	[tilespmem:v27+s28+$0x0] =	vst.idx.msk $0xffff, v32  }
0x100: {  	v32 =	vld [tilespmem:s10+$0x1BC0];
	_ =	sdelay $0x4  }
0x101: {  	[tilespmem:v28+s28+$0x0] =	vst.idx.msk $0xffff, v32  }
0x102: {  	v32 =	vld [tilespmem:s10+$0x1BD0];
	_ =	sdelay $0x4  }
0x103: {  	[tilespmem:v29+s28+$0x0] =	vst.idx.msk $0xffff, v32  }
0x104: {  	v32 =	vld [tilespmem:s10+$0x1BE0];
	_ =	sdelay $0x4  }
0x105: {  	[tilespmem:v30+s28+$0x0] =	vst.idx.msk $0xffff, v32  }
0x106: {  	v32 =	vld [tilespmem:s10+$0x1BF0];
	_ =	sdelay $0x1  }
0x107: {  	s11 =	rddreg [dreg:$0x7];
	p0 =	seq.s32 s17, $0x4E000  }
0x108: {  	s11 =	sadd.s32 @!p0 s16, s11  }
0x109: {  	s11 =	sshrl.u32 @!p0 s11, $0x3  }
0x10a: {  	s13 =	sadd.s32 @!p0 s2, s11;
	s14 =	simm.s32 @!p0 $0x0;
	s12 =	ssub.s32 @!p0 $0x400, s10;
	[tilespmem:v31+s28+$0x0] =	vst.idx.msk $0xffff, v32  }
0x10b: {  	[tilespmem:s12], [sflag:$0x1] =	stream.linear.gather @!p0 [hbm4b:s13+s14], $0x400, $0x38;
	[tilespmem:$0x1C000] =	vst v63  }
0x10c: {  	s12 =	ssub.s32 @!p0 $0xC00, s10;
	s13 =	sadd.s32 @!p0 s4, s11  }
0x10d: {  	[tilespmem:s12], [sflag:$0x1] =	stream.linear.gather @!p0 [hbm4b:s13+s14], $0x400, $0x38;
	[tilespmem:$0x1C000] =	vst v63  }
0x10e: {  	s12 =	ssub.s32 @!p0 $0x1400, s10;
	s13 =	sadd.s32 @!p0 s5, s11  }
0x10f: {  	[tilespmem:s12], [sflag:$0x1] =	stream.linear.gather @!p0 [hbm4b:s13+s14], $0x400, $0x38;
	[tilespmem:$0x1C000] =	vst v63  }
0x110: {  	s10 =	ssub.s32 @!p0 $0x1C00, s10;
	s11 =	sadd.s32 @!p0 s1, s11  }
0x111: {  	[tilespmem:s10], [sflag:$0x1] =	stream.linear.gather @!p0 [hbm4b:s11+s14], $0x400, $0x38;
	[tilespmem:$0x1C000] =	vst v63  }
0x112: {  	_ =	swait.ge [sflag:s29], $0x1000  }
0x113: {  	[sflag:s29] =	ssyncset.done $0x0  }
0x114: {  	[sflag:s29] =	ssyncadd.s32 $0xFFFFF000  }
0x115: {  	_ =	swait.ge [sflag:s29], $0x1000  }
0x116: {  	[sflag:s29] =	ssyncset.done $0x0  }
0x117: {  	[sflag:s29] =	ssyncadd.s32 $0xFFFFF000  }
0x118: {  	_ =	swait.ge [sflag:s29], $0x1000  }
0x119: {  	[sflag:s29] =	ssyncset.done $0x0  }
0x11a: {  	[sflag:s29] =	ssyncadd.s32 $0xFFFFF000  }
0x11b: {  	_ =	swait.ge [sflag:s29], $0x1000  }
0x11c: {  	[sflag:s29] =	ssyncset.done $0x0  }
0x11d: {  	[sflag:s29] =	ssyncadd.s32 $0xFFFFF000  }
0x11e: {  	_ =	swait.ge [sflag:s29], $0x1000  }
0x11f: {  	[sflag:s29] =	ssyncset.done $0x0  }
0x120: {  	[sflag:s29] =	ssyncadd.s32 $0xFFFFF000  }
0x121: {  	_ =	swait.ge [sflag:s29], $0x1000  }
0x122: {  	[sflag:s29] =	ssyncset.done $0x0  }
0x123: {  	[sflag:s29] =	ssyncadd.s32 $0xFFFFF000  }
0x124: {  	_ =	swait.ge [sflag:s29], $0x1000  }
0x125: {  	[sflag:s29] =	ssyncset.done $0x0  }
0x126: {  	[sflag:s29] =	ssyncadd.s32 $0xFFFFF000  }
0x127: {  	_ =	swait.ge [sflag:s29], $0x1000  }
0x128: {  	[sflag:s29] =	ssyncset.done $0x0  }
0x129: {  	[sflag:s29] =	ssyncadd.s32 $0xFFFFF000  }
0x12a: {  	_ =	swait.ge [sflag:s29], $0x1000  }
0x12b: {  	[sflag:s29] =	ssyncset.done $0x0  }
0x12c: {  	[sflag:s29] =	ssyncadd.s32 $0xFFFFF000  }
0x12d: {  	_ =	swait.ge [sflag:s29], $0x1000  }
0x12e: {  	[sflag:s29] =	ssyncset.done $0x0  }
0x12f: {  	[sflag:s29] =	ssyncadd.s32 $0xFFFFF000  }
0x130: {  	_ =	swait.ge [sflag:s29], $0x1000  }
0x131: {  	[sflag:s29] =	ssyncset.done $0x0  }
0x132: {  	[sflag:s29] =	ssyncadd.s32 $0xFFFFF000  }
0x133: {  	_ =	swait.ge [sflag:s29], $0x1000  }
0x134: {  	s13 =	rddreg [dreg:$0xc];
	[sflag:s29] =	ssyncset.done $0x0  }
0x135: {  	[sflag:s29] =	ssyncadd.s32 $0xFFFFF000;
	s10 =	sadd.s32 s17, s13  }
0x136: {  	[hbm4b:s10+s30] =	stream.strided.scatter [tilespmem:s20], [sflag:$0x3], $0x4000, s31, s30, $0x38;
	[tilespmem:$0x1C000] =	vst v63  }
0x137: {  	s14 =	sadd.s32 $0x4, s10  }
0x138: {  	[hbm4b:s14+s30] =	stream.strided.scatter [tilespmem:s21], [sflag:$0x3], $0x4000, s31, s30, $0x38;
	[tilespmem:$0x1C000] =	vst v63  }
0x139: {  	s12 =	sadd.s32 $0x8, s10  }
0x13a: {  	[hbm4b:s12+s30] =	stream.strided.scatter [tilespmem:s22], [sflag:$0x3], $0x4000, s31, s30, $0x38;
	[tilespmem:$0x1C000] =	vst v63  }
0x13b: {  	s10 =	sadd.s32 $0xC, s10  }
0x13c: {  	[hbm4b:s10+s0] =	stream.strided.scatter [tilespmem:s23], [sflag:$0x3], $0x1000, s31, s0, $0x38;
	[tilespmem:$0x1C000] =	vst v63  }
0x13d: {  	_ =	swait.ge [sflag:s29], $0x1000  }
0x13e: {  	[sflag:s29] =	ssyncset.done $0x0  }
0x13f: {  	[sflag:s29] =	ssyncadd.s32 $0xFFFFF000  }
0x140: {  	_ =	swait.ge [sflag:s29], $0x1000  }
0x141: {  	[sflag:s29] =	ssyncset.done $0x0  }
0x142: {  	[sflag:s29] =	ssyncadd.s32 $0xFFFFF000  }
0x143: {  	_ =	swait.ge [sflag:s29], $0x1000  }
0x144: {  	[sflag:s29] =	ssyncset.done $0x0  }
0x145: {  	[sflag:s29] =	ssyncadd.s32 $0xFFFFF000  }
0x146: {  	_ =	swait.ge [sflag:s29], $0x1000  }
0x147: {  	[sflag:s29] =	ssyncset.done $0x0  }
0x148: {  	[sflag:s29] =	ssyncadd.s32 $0xFFFFF000  }
0x149: {  	_ =	swait.ge [sflag:s29], $0x1000  }
0x14a: {  	[sflag:s29] =	ssyncset.done $0x0  }
0x14b: {  	[sflag:s29] =	ssyncadd.s32 $0xFFFFF000  }
0x14c: {  	_ =	swait.ge [sflag:s29], $0x1000  }
0x14d: {  	[sflag:s29] =	ssyncset.done $0x0  }
0x14e: {  	[sflag:s29] =	ssyncadd.s32 $0xFFFFF000  }
0x14f: {  	_ =	swait.ge [sflag:s29], $0x1000  }
0x150: {  	[sflag:s29] =	ssyncset.done $0x0  }
0x151: {  	[sflag:s29] =	ssyncadd.s32 $0xFFFFF000  }
0x152: {  	_ =	swait.ge [sflag:s29], $0x1000  }
0x153: {  	[sflag:s29] =	ssyncset.done $0x0  }
0x154: {  	[sflag:s29] =	ssyncadd.s32 $0xFFFFF000  }
0x155: {  	_ =	swait.ge [sflag:s29], $0x1000  }
0x156: {  	[sflag:s29] =	ssyncset.done $0x0  }
0x157: {  	[sflag:s29] =	ssyncadd.s32 $0xFFFFF000  }
0x158: {  	_ =	swait.ge [sflag:s29], $0x1000  }
0x159: {  	[sflag:s29] =	ssyncset.done $0x0  }
0x15a: {  	[sflag:s29] =	ssyncadd.s32 $0xFFFFF000  }
0x15b: {  	_ =	swait.ge [sflag:s29], $0x1000  }
0x15c: {  	[sflag:s29] =	ssyncset.done $0x0  }
0x15d: {  	[sflag:s29] =	ssyncadd.s32 $0xFFFFF000  }
0x15e: {  	_ =	swait.ge [sflag:s29], $0x1000  }
0x15f: {  	s13 =	rddreg [dreg:$0x8]  }
0x160: {  	s14 =	rddreg [dreg:$0x9]  }
0x161: {  	[sflag:s29] =	ssyncset.done $0x0;
	s10 =	sadd.s32 s17, s13;
	s13 =	rddreg [dreg:$0xa]  }
0x162: {  	[sflag:s29] =	ssyncadd.s32 $0xFFFFF000;
	s12 =	sadd.s32 s17, s14;
	s14 =	rddreg [dreg:$0xb]  }
0x163: {  	[hbm4b:s10+s30] =	stream.strided.scatter [tilespmem:s24], [sflag:$0x3], $0x4000, s31, s30, $0x38;
	[tilespmem:$0x1C000] =	vst v63  }
0x164: {  	s11 =	sadd.s32 s17, s13;
	s10 =	sadd.s32 s17, s14;
	s17 =	sadd.s32 $0x3400, s17  }
0x165: {  	p0 =	sne.s32 s17, $0x51400  }
0x166: {  	[hbm4b:s12+s30] =	stream.strided.scatter [tilespmem:s25], [sflag:$0x3], $0x4000, s31, s30, $0x38;
	[tilespmem:$0x1C000] =	vst v63  }
.Ltmp0:
0x167: {  	_ = 	snop;
	(pc) =	sbr.rel @p0 .LBB2_2-.Ltmp0, $4  }
0x168: {  	_ = 	snop  }
0x169: {  	[hbm4b:s11+s30] =	stream.strided.scatter [tilespmem:s26], [sflag:$0x3], $0x4000, s31, s30, $0x38;
	[tilespmem:$0x1C000] =	vst v63  }
0x16a: {  	s16 =	sadd.s32 $0x400, s16  }
0x16b: {  	[hbm4b:s10+s0] =	stream.strided.scatter [tilespmem:s28], [sflag:$0x3], $0x1000, s31, s0, $0x38;
	[tilespmem:$0x1C000] =	vst v63  }
0x16c: {  	_ =	swait.ge [sflag:s3], $0x4000  }
0x16d: {  	[sflag:s3] =	ssyncset.done $0x0  }
0x16e: {  	[sflag:s3] =	ssyncadd.s32 $0xFFFFC000  }
0x16f: {  	_ =	swait.ge [sflag:s3], $0x4000  }
0x170: {  	[sflag:s3] =	ssyncset.done $0x0  }
0x171: {  	[sflag:s3] =	ssyncadd.s32 $0xFFFFC000  }
0x172: {  	_ =	swait.ge [sflag:s3], $0x4000  }
0x173: {  	[sflag:s3] =	ssyncset.done $0x0  }
0x174: {  	[sflag:s3] =	ssyncadd.s32 $0xFFFFC000  }
0x175: {  	_ =	swait.ge [sflag:s3], $0x1000  }
0x176: {  	[sflag:s3] =	ssyncset.done $0x0  }
0x177: {  	[sflag:s3] =	ssyncadd.s32 $0xFFFFF000  }
0x178: {  	_ =	swait.ge [sflag:s3], $0x4000  }
0x179: {  	[sflag:s3] =	ssyncset.done $0x0  }
0x17a: {  	[sflag:s3] =	ssyncadd.s32 $0xFFFFC000  }
0x17b: {  	_ =	swait.ge [sflag:s3], $0x4000  }
0x17c: {  	[sflag:s3] =	ssyncset.done $0x0  }
0x17d: {  	[sflag:s3] =	ssyncadd.s32 $0xFFFFC000  }
0x17e: {  	_ =	swait.ge [sflag:s3], $0x4000  }
0x17f: {  	[sflag:s3] =	ssyncset.done $0x0  }
0x180: {  	[sflag:s3] =	ssyncadd.s32 $0xFFFFC000  }
0x181: {  	_ =	swait.ge [sflag:s3], $0x1000  }
0x182: {  	s10 =	sld [smem:$0x7FD];
	_ =	sdelay $0x1  }
0x183: {  	s15 =	sadd.s32 $0x1, s15  }
0x184: {  	p0 =	sne.s32 s15, s10  }
.Ltmp1:
0x185: {  	_ = 	snop;
	(pc) =	sbr.rel @p0 .LBB2_1-.Ltmp1, $3  }
0x186: {  	_ =	sdelay $0x1  }
0x187: {  	[sflag:s3] =	ssyncset.done $0x0  }
0x188: {  	[sflag:s3] =	ssyncadd.s32 $0xFFFFF000  }
0x189: {  	_ =	sfence.sel $0x180000  }
0x18a: {  	[bflag:$0x0] =	sbarrier.arrive $0xFFFF  }
0x18b: {  	_ =	strace $0x90000047  }
0x18c: {  	s0 =	stileid.u32;
	[bflag:$0x2] =	sbarrier.arrive $0xFFFF  }
0x18d: {  	p0 =	sne.s32 s0, $0x0;
	s0 =	rddreg [dreg:$0x6]  }
0x18e: {  	s0 =	sadd.s32 @!p0 $0x100000, s0  }
0x18f: {  	[sflag:s0] =	ssyncadd.tile.s32 @!p0 $0x1;
	_ =	shalt  }
.Lfunc_end2:
_tile_overlayer_lowered:
.L_overlay_start_2:
0x190: {  	(tag) =	ssettag $0x2  }
0x191: {  	s0 =	rddreg [dreg:$0x0];
	s2 =	stileid.u32  }
0x192: {  	s1 =	rddreg [dreg:$0x1];
	p0 =	sne.s32 s2, $0x0  }
0x193: {  	s3 =	rddreg [dreg:$0x2];
	[bflag:$0x3] =	sbarrier.arrive $0xFFFF;
	s2 =	simm.s32 @!p0 $0x1C04  }
0x194: {  	[timem:s3], [sflag:s2] =	dma.local @!p0 [hbm:s0], s1  }
0x195: {  	s0 =	simm.s32 @!p0 $0x4  }
0x196: {  	_ =	swait.ge @!p0 [sflag:s0], s1  }
0x197: {  	s1 =	ssub.s32 @!p0 $0x0, s1;
	[sflag:s0] =	ssyncset.done @!p0 $0x0  }
0x198: {  	[sflag:s0] =	ssyncadd.s32 @!p0 s1  }
0x199: {  	[bflag:$0x3] =	sbarrier.arrive $0xFFFF  }
0x19a: {  	_ =	shalt  }

// kernel: sparse-core-data-format-call.cloned.1.call-start
scs
called_computation_lowered:
.L_overlay_start_0:
0x0: {  	s2 =	sld [smem:$0x3FD9]  }
0x1: {  	s3 =	sld [smem:$0x3FFE];
	_ =	sdelay $0x1  }
0x2: {  	s1 =	srdreg.scid  }
0x3: {  	s0 =	sand.u32 $0x1, s1  }
0x4: {  	s18 =	sshll.u32 s0, $0xA;
	s2 =	sadd.s32 s3, s2  }
0x5: {  	s2 =	sadd.s32 s2, s18  }
0x6: {  	[smem:$0x3FC1] =	sst s2  }
0x7: {  	_ = 	snop  }
0x8: {  	s2 =	sld [smem:$0x3FD0];
	(tm) =	ssettm $0x1  }
0x9: {  	s19 =	sld [smem:$0x3FFB];
	_ =	sdelay $0x3  }
0xa: {  	_ =	strace s19  }
0xb: {  	s3 =	sld [smem:$0x3FFC];
	_ =	sdelay $0x3  }
0xc: {  	_ =	strace s3  }
0xd: {  	s3 =	sld [smem:$0x3FFD];
	_ =	sdelay $0x3  }
0xe: {  	_ =	strace s3  }
0xf: {  	_ =	strace $0x8FFFFFFF  }
0x10: {  	s20 =	sld [smem:$0x3FDB];
	_ =	sdelay $0x1  }
0x11: {  	s4 =	simm.s32 $_scs_section_size  }
0x12: {  	s5 =	simm.s32 $_size__tile_overlayer_lowered;
	s6 =	simm.s32 $_tile_overlayer_lowered  }
0x13: {  	s23 =	simm.s32 $0x1BFF;
	s22 =	sshll.u32 s6, $0x1;
	s3 =	sadd.s32 s4, s20  }
0x14: {  	s7 =	simm.s32 $0x0;
	s21 =	sshll.u32 s5, $0x1;
	s5 =	sadd.s32 s22, s3  }
0x15: {  	[timem:s7], [sflag:s23] =	dma.local [hbm:s5], s21  }
0x16: {  	_ =	swait.ge [sflag:s23], s21  }
0x17: {  	s4 =	ssub.s32 $0x0, s21;
	[sflag:s23] =	ssyncset.done $0x0  }
0x18: {  	[sflag:s23] =	ssyncadd.s32 s4;
	_ =	sdelay $0x1  }
0x19: {  	s24 =	simm.s32 $0x1B8B  }
0x1a: {  	_ =	swait.ge [sflag:s24], $0x1  }
0x1b: {  	[sflag:s24] =	ssyncset.done $0x0  }
0x1c: {  	s26 =	simm.s32 $0x1B8E;
	s25 =	sld [smem:$0x3FFE];
	[sflag:s24] =	ssyncadd.s32 $0xFFFFFFFF  }
0x1d: {  	s27 =	simm.s32 $execute0_lowered;
	[smem:$0x3FD2] =	sst s26  }
0x1e: {  	s5 =	sshll.u32 s27, $0x1;
	_ =	strace $0x80000049;
	[dreg:$0x1] =	wrdreg $0xFFFFFFFF  }
0x1f: {  	s28 =	simm.s32 $_size_execute0_lowered;
	s3 =	sadd.s32 s3, s5;
	[dreg:$0x0] =	wrdreg $0x0  }
0x20: {  	s5 =	sshll.u32 s28, $0x1;
	[dreg:$0x2] =	wrdreg s3  }
0x21: {  	[dreg:$0x3] =	wrdreg s5  }
0x22: {  	[dreg:$0x4] =	wrdreg $0xC0  }
0x23: {  	_ =	task [dreg:s7], $0x5FFFF  }
0x24: {  	[dreg:$0x1] =	wrdreg $0xFFFFFFFF  }
0x25: {  	[dreg:$0x0] =	wrdreg $0x60  }
0x26: {  	[dreg:$0x2] =	wrdreg s25  }
0x27: {  	[dreg:$0x3] =	wrdreg s2  }
0x28: {  	[dreg:$0x4] =	wrdreg $0x9  }
0x29: {  	_ =	task.clear_ibuf [dreg:s7], $0x5FFFF;
	_ =	strace $0x90000049  }
0x2a: {  	s29 =	simm.s32 $0x9;
	_ =	strace $0x8000004B  }
0x2b: {  	_ =	swait.ge [sflag:s29], $0x1  }
0x2c: {  	[sflag:s29] =	ssyncadd.s32 $0xFFFFFFFF  }
0x2d: {  	_ =	strace $0x9000004B  }
0x2e: {  	_ =	sfence  }
0x2f: {  	s30 =	sld [smem:$0x0];
	_ =	sdelay $0x2  }
0x30: {  	s31 =	sshll.u32 s1, $0xD;
	s1 =	sshrl.u32 s1, $0x2  }
0x31: {  	s3 =	sand.u32 $0x4000, s31;
	s1 =	sadd.s32 s1, s30  }
0x32: {  	s0 =	sor.u32 s3, s0;
	s1 =	sshll.u32 s1, $0x11  }
0x33: {  	s0 =	sor.u32 s1, s0  }
0x34: {  	s0 =	sadd.s32 $0x8F2B, s0  }
0x35: {  	[sflag:s0] =	ssyncadd.remote.s32 $0x1  }
0x36: {  	_ =	sfence.sel $0xFFFF  }
0x37: {  	[dreg:$0x0] =	wrdreg $0xFFFFFFFF;
	(pc) =	sbr.abs _section_cstart, $3  }
0x38: {  	[dreg:$0x1] =	wrdreg $0xFFFFFFFF  }
0x39: {  	_ =	task.clear_ibuf [dreg:s7], $0x2FFFF;
	_ =	strace $0x9FFFFFFF  }
0x3a: {  	(tm) =	ssettm $0x7FFFFFFF  }
0x3b: {  	_ =	shalt  }
tec
execute0_lowered:
.L_overlay_start_1:
0x0: {  	(tag) =	ssettag $0x1  }
0x1: {  	s0 =	srdreg.scid  }
0x2: {  	s5 =	rddreg [dreg:$0x0];
	s1 =	sshll.u32 s0, $0x4  }
0x3: {  	s2 =	rddreg [dreg:$0x1];
	s0 =	stileid.u32;
	s1 =	sand.u32 $0x10, s1  }
0x4: {  	s4 =	simm.s32 $0x1;
	s8 =	simm.s32 $0x2;
	s1 =	sor.u32 s0, s1  }
0x5: {  	s12 =	simm.s32 $0x0;
	s9 =	simm.s32 $0x0;
	s3 =	sshll.u32 s1, $0x7  }
0x6: {  	s11 =	simm.s32 $0x0;
	s5 =	sadd.s32 $0x800, s5;
	s6 =	ssub.s32 $0xC8000, s3  }
.Ltmp0:
0x7: {  	s1 =	rddreg [dreg:$0x2];
	s7 =	sand.u32 $0xF80, s6;
	(pc) =	sbr.rel .LBB1_1-.Ltmp0, $4  }
0x8: {  	_ =	strace $0x8000004A;
	p0 =	sne.s32 s7, $0x0;
	s7 =	simm.s32 $0x1  }
0x9: {  	[sflag:s4] =	ssyncpa.u1 $0x0;
	s6 =	sshrl.u32 s6, $0xC;
	s7 =	simm.s32 @!p0 $0x0  }
0xa: {  	s10 =	smov.u32 s3;
	[sflag:s8] =	ssyncpa.u1 $0x0;
	s6 =	sadd.s32 s7, s6  }
0xb: {  	s8 =	simm.s32 $0x640000;
	p0 =	por $0x0, $0x0;
	s7 =	sadd.s32 $0x1, s6  }
.LBB1_4:
0xc: {  	s18 =	sshll.u32 s9, $0x3  }
0xd: {  	s19 =	sand.u32 $0x7F, s9;
	s20 =	sand.u32 $0xFFFFFC00, s18;
	s18 =	smulhi.u32 $0x51EB851F, s18  }
0xe: {  	v5 =	vld [tilespmem:s14+$0xFFFFFFD0];
	[tilespmem:s16+$0x2040 ss:$0x81] =	vst.msk $0xffff, v3;
	s19 =	sor.u32 s19, s20  }
0xf: {  	v58 =	vld [tilespmem:s14+$0xFFFFFFE0];
	[tilespmem:s16+$0x2850 ss:$0x81] =	vst.msk $0xffff, v4;
	s20 =	smulhi.u32 $0x51EB851F, s19;
	s18 =	sshrl.u32 s18, $0x12  }
0x10: {  	s17 =	sshra.s32 s17, $0x2;
	v59 =	vld [tilespmem:s14+$0xFFFFFFF0];
	[tilespmem:s16+$0x3060 ss:$0x81] =	vst.msk $0xffff, v2;
	p1 =	sgt.s32 s9, $0xC7F80;
	s21 =	smul.u32 $0x2763, s18  }
0x11: {  	v60 =	vld [tilespmem:s14+$0x0];
	[tilespmem:s16+$0x0 ss:$0x81] =	vst.msk $0xffff, v0;
	s26 =	sshra.s32 s9, $0x1F;
	s15 =	sadd.s32 s17, s15;
	s20 =	sshrl.u32 s20, $0x12  }
0x12: {  	v61 =	vld [tilespmem:s14+$0x10];
	[tilespmem:s15+$0x3870 ss:$0x81] =	vst.msk $0xffff, v1;
	s24 =	smul.u32 $0xC8000, s20;
	s25 =	sshrl.u32 s21, $0x14;
	s20 =	smov.u32 s9  }
0x13: {  	v62 =	vld [tilespmem:s14+$0x20];
	[tilespmem:s15+$0x810 ss:$0x81] =	vst.msk $0xffff, v5;
	s21 =	sand.u32 s26, s9;
	s17 =	smul.u32 $0x68, s25;
	s20 =	simm.s32 @!p1 $0xC7F80  }
0x14: {  	v63 =	vld [tilespmem:s14+$0xFFFFFFC0];
	[tilespmem:s15+$0x1020 ss:$0x81] =	vst.msk $0xffff, v58;
	s27 =	ssub.s32 s19, s24;
	s28 =	ssub.s32 s20, s21  }
0x15: {  	[tilespmem:s15+$0x1830 ss:$0x81] =	vst.msk $0xffff, v59;
	s17 =	ssub.s32 s18, s17;
	s29 =	sadd.s32 $0xFFF38080, s28;
	s16 =	ssub.s32 $0xC8000, s28  }
0x16: {  	[tilespmem:s15+$0x2040 ss:$0x81] =	vst.msk $0xffff, v60;
	s30 =	sshrl.u32 s27, $0x3;
	s17 =	sand.u32 $0xFFFF, s17;
	s16 =	smul.u32 $0x1A0, s16  }
0x17: {  	[tilespmem:s15+$0x2850 ss:$0x81] =	vst.msk $0xffff, v61;
	s14 =	sand.u32 $0x7, s27;
	p1 =	sgt.s32 s29, $0x7F;
	s17 =	smul.u32 $0x19000, s17  }
0x18: {  	[tilespmem:s15+$0x3060 ss:$0x81] =	vst.msk $0xffff, v62;
	s18 =	sadd.s32 s2, s30;
	s14 =	sshll.u32 s14, $0x12;
	s16 =	sshrl.u32 s16, $0x2  }
0x19: {  	[tilespmem:s15+$0x0 ss:$0x81] =	vst.msk $0xffff, v63;
	s14 =	sor.u32 $0x400, s14;
	s16 =	simm.s32 @p1 $0x0;
	s31 =	sadd.s32 s17, s18  }
0x1a: {  	[hbm4b:s31+s14] =	stream.strided.scatter [tilespmem:s13], [sflag:$0x2], s16, s8, s14, $0x20;
	[tilespmem:$0x10100] =	vst v63  }
.LBB1_5:
0x1b: {  	p1 =	slt.u32 s11, $0x2  }
0x1c: {  	p2 =	sgt.s32 @!p1 s12, $0xC7F80  }
0x1d: {  	s13 =	smov.u32 s12;
	s14 =	sshra.s32 @!p1 s12, $0x1F;
	p2 =	por !p2, p1  }
0x1e: {  	s12 =	sand.u32 @!p1 s14, s12;
	s13 =	simm.s32 @p2 $0xC7F80  }
0x1f: {  	s12 =	ssub.s32 @!p1 s13, s12  }
0x20: {  	s13 =	ssub.s32 @!p1 $0xC8000, s12  }
0x21: {  	s12 =	sadd.s32 @!p1 $0xFFF38080, s12;
	s13 =	smul.u32 @!p1 $0x1A0, s13  }
0x22: {  	p2 =	sgt.s32 @!p1 s12, $0x7F  }
0x23: {  	s14 =	sadd.s32 $0x1000, s10;
	p2 =	por !p2, p1;
	s12 =	sshrl.u32 @!p1 s13, $0x2  }
0x24: {  	s12 =	simm.s32 @!p2 $0x0;
	p2 =	sgt.s32 s14, $0xC7FFF  }
0x25: {  	s14 =	smov.u32 @p2 s3;
	p2 =	sne.s32 s11, s7  }
.Ltmp1:
0x26: {  	_ = 	snop;
	(pc) =	sbr.rel @!p2 .LBB1_6-.Ltmp1, $4  }
0x27: {  	s13 =	simm.s32 @!p1 $0x2  }
0x28: {  	p0 =	por !p0, !p0;
	_ =	swait.ge @!p1 [sflag:s13], s12;
	s15 =	ssub.s32 @!p1 $0x0, s12  }
0x29: {  	s12 =	smov.u32 s9;
	s11 =	sadd.s32 $0x1, s11;
	[sflag:s13] =	ssyncset.done @!p1 $0x0  }
0x2a: {  	s9 =	smov.u32 s10;
	s10 =	smov.u32 s14;
	[sflag:s13] =	ssyncadd.s32 @!p1 s15  }
.LBB1_1:
0x2b: {  	p1 =	sge.u32 s11, s6  }
0x2c: {  	s13 =	sand.u32 @!p1 $0x1FFFFFF, s10  }
0x2d: {  	s14 =	smulhi.u32 @!p1 $0x147AE15, s13;
	_ =	sdelay $0x1  }
0x2e: {  	s14 =	sshrl.u32 @!p1 s14, $0xC  }
0x2f: {  	s14 =	smul.u32 @!p1 $0xC8000, s14;
	_ =	sdelay $0x1  }
0x30: {  	s15 =	sxor.u32 @!p1 $0xFFFFFFFF, s11;
	s13 =	ssub.s32 @!p1 s13, s14  }
0x31: {  	s31 =	sadd.s32 $0xFFFFFFFF, s11;
	s14 =	sshll.u32 @!p1 s15, $0xE;
	s13 =	sshll.u32 @!p1 s13, $0x4  }
0x32: {  	s15 =	simm.s32 @!p1 $0x0;
	s14 =	sand.u32 @!p1 $0x4000, s14;
	s13 =	sadd.s32 @!p1 s5, s13  }
0x33: {  	[tilespmem:s14], [sflag:$0x1] =	stream.linear.gather @!p1 [hbm4b:s13+s15], $0x4000, $0x38;
	[tilespmem:$0x10100] =	vst v63  }
0x34: {  	p1 =	sge.u32 s31, s6  }
.Ltmp2:
0x35: {  	_ = 	snop;
	(pc) =	sbr.rel @p1 .LBB1_5-.Ltmp2, $1  }
0x36: {  	_ =	sdelay $0x3  }
0x37: {  	s13 =	simm.s32 $0x1  }
0x38: {  	_ =	swait.ge [sflag:s4], $0x4000;
	s13 =	simm.s32 @!p0 $0x0  }
0x39: {  	[sflag:s4] =	ssyncset.done $0x0;
	s14 =	sshll.u32 s13, $0xE  }
0x3a: {  	[sflag:s4] =	ssyncadd.s32 $0xFFFFC000;
	s14 =	sor.u32 $0x40, s14  }
0x3b: {  	s13 =	smul.u32 $0x10200, s13;
	v0 =	vld [tilespmem:s14+$0x30]  }
0x3c: {  	v1 =	vld [tilespmem:s14+$0xFFFFFFD0]  }
0x3d: {  	s13 =	sshrl.u32 s13, $0x2;
	v5 =	vld [tilespmem:s14+$0xFFFFFFE0]  }
0x3e: {  	v6 =	vld [tilespmem:s14+$0xFFFFFFF0];
	s15 =	sor.u32 $0x8000, s13  }
0x3f: {  	s31 =	sand.u32 $0x1, s11;
	v3 =	vld [tilespmem:s14+$0x0];
	s16 =	sadd.s32 $0x0, s15  }
0x40: {  	v4 =	vld [tilespmem:s14+$0x10];
	s13 =	smul.u32 $0x10200, s31;
	[tilespmem:s16+$0x3870 ss:$0x81] =	vst.msk $0xffff, v0  }
0x41: {  	v2 =	vld [tilespmem:s14+$0x20];
	[tilespmem:s16+$0x810 ss:$0x81] =	vst.msk $0xffff, v1  }
0x42: {  	s13 =	sshrl.u32 s13, $0x2;
	v0 =	vld [tilespmem:s14+$0xFFFFFFC0];
	[tilespmem:s16+$0x1020 ss:$0x81] =	vst.msk $0xffff, v5;
	s14 =	sadd.s32 $0x80, s14  }
0x43: {  	s17 =	simm.s32 $0x4;
	s18 =	simm.s32 $0x8;
	s13 =	sor.u32 $0x8000, s13;
	[tilespmem:s16+$0x1830 ss:$0x81] =	vst.msk $0xffff, v6;
	v1 =	vld [tilespmem:s14+$0x30]  }
.LBB1_3:
0x44: {  	p1 =	sne.s32 s18, $0x1FC;
	v5 =	vld [tilespmem:s14+$0xFFFFFFD0];
	[tilespmem:s16+$0x2040 ss:$0x81] =	vst.msk $0xffff, v3  }
0x45: {  	v6 =	vld [tilespmem:s14+$0xFFFFFFE0];
	[tilespmem:s16+$0x2850 ss:$0x81] =	vst.msk $0xffff, v4  }
0x46: {  	s19 =	sshra.s32 s17, $0x2;
	s17 =	smov.u32 s18;
	v7 =	vld [tilespmem:s14+$0xFFFFFFF0];
	[tilespmem:s16+$0x3060 ss:$0x81] =	vst.msk $0xffff, v2  }
.Ltmp3:
0x47: {  	v3 =	vld [tilespmem:s14+$0x0];
	[tilespmem:s16+$0x0 ss:$0x81] =	vst.msk $0xffff, v0;
	s16 =	sadd.s32 s19, s15;
	(pc) =	sbr.rel @p1 .LBB1_3-.Ltmp3, $4  }
0x48: {  	v4 =	vld [tilespmem:s14+$0x10];
	[tilespmem:s16+$0x3870 ss:$0x81] =	vst.msk $0xffff, v1  }
0x49: {  	[tilespmem:s16+$0x810 ss:$0x81] =	vst.msk $0xffff, v5;
	v2 =	vld [tilespmem:s14+$0x20]  }
0x4a: {  	v0 =	vld [tilespmem:s14+$0xFFFFFFC0];
	[tilespmem:s16+$0x1020 ss:$0x81] =	vst.msk $0xffff, v6;
	s14 =	sadd.s32 $0x80, s14  }
0x4b: {  	s18 =	sadd.s32 $0x4, s18;
	v1 =	vld [tilespmem:s14+$0x30];
	[tilespmem:s16+$0x1830 ss:$0x81] =	vst.msk $0xffff, v7  }
.Ltmp4:
0x4c: {  	_ = 	snop;
	(pc) =	sbr.rel .LBB1_4-.Ltmp4, $1  }
0x4d: {  	_ =	sdelay $0x3  }
.LBB1_6:
0x4e: {  	_ =	sfence.sel $0x180000  }
0x4f: {  	s2 =	simm.s32 $0x1;
	[bflag:$0x0] =	sbarrier.arrive $0xFFFF  }
0x50: {  	s31 =	simm.s32 $0x2;
	[sflag:s2] =	ssyncpa.u1 $0x1  }
0x51: {  	[sflag:s31] =	ssyncpa.u1 $0x1  }
0x52: {  	p0 =	sne.s32 s0, $0x0;
	_ =	strace $0x9000004A  }
0x53: {  	s0 =	sadd.s32 @!p0 $0x100000, s1;
	[bflag:$0x2] =	sbarrier.arrive $0xFFFF  }
0x54: {  	[sflag:s0] =	ssyncadd.tile.s32 @!p0 $0x1;
	_ =	shalt  }
.Lfunc_end1:
_tile_overlayer_lowered:
.L_overlay_start_2:
0x55: {  	(tag) =	ssettag $0x2  }
0x56: {  	s0 =	rddreg [dreg:$0x0];
	s2 =	stileid.u32  }
0x57: {  	s1 =	rddreg [dreg:$0x1];
	p0 =	sne.s32 s2, $0x0  }
0x58: {  	s3 =	rddreg [dreg:$0x2];
	[bflag:$0x3] =	sbarrier.arrive $0xFFFF;
	s2 =	simm.s32 @!p0 $0x1C01  }
0x59: {  	[timem:s3], [sflag:s2] =	dma.local @!p0 [hbm:s0], s1  }
0x5a: {  	s0 =	simm.s32 @!p0 $0x1  }
0x5b: {  	_ =	swait.ge @!p0 [sflag:s0], s1  }
0x5c: {  	s1 =	ssub.s32 @!p0 $0x0, s1;
	[sflag:s0] =	ssyncset.done @!p0 $0x0  }
0x5d: {  	[sflag:s0] =	ssyncadd.s32 @!p0 s1  }
0x5e: {  	[bflag:$0x3] =	sbarrier.arrive $0xFFFF  }
0x5f: {  	_ =	shalt  }

</sc_bundles>
